<compile_context>
chip_gen: v7x
topology: tpu7x:2x2x1
jax: 0.10.2.dev20260603
libtpu: 0.0.44.dev20260713+nightly
codegen_flags: <defaults>
</compile_context>

<pallas_src>
import functools

import jax
import jax.numpy as jnp
from jax import lax
from jax.experimental import pallas as pl
from jax.experimental.pallas import tpu as pltpu
from jax.experimental.pallas import tpu_sc as plsc

N_ATOM = 10000
N_BOND = 10000
N_GLOBAL = 64
E_BOND = 320000
E_GLOBAL = 10000
D = 128
DW = D + 16
ACC_ROWS = 10112
NC, NS = 2, 16
NW = NC * NS
CHUNK = 128
NCH_C0 = 102
NCH_C1 = 56
ROWS_PER_SUB = ACC_ROWS // NS


def _ceil_div(a, b):
    return (a + b - 1) // b


def _even_chunks(n_edges):
    n = _ceil_div(n_edges, NW * CHUNK)
    return n + (n % 2)


@functools.lru_cache(maxsize=None)
def _make_segsum(nch1a, nch1b, nch2):
    mesh = plsc.VectorSubcoreMesh(core_axis_name="c", subcore_axis_name="s")

    @functools.partial(
        pl.kernel,
        out_type=(jax.ShapeDtypeStruct((NC, ACC_ROWS, DW), jnp.float32),
                  jax.ShapeDtypeStruct((1, ACC_ROWS, DW), jnp.float32)),
        mesh=mesh,
        scratch_types=[
            pltpu.VMEM((2, CHUNK), jnp.int32),
            pltpu.VMEM((2, CHUNK), jnp.int32),
            pltpu.VMEM((CHUNK, DW), jnp.float32),
            pltpu.VMEM((CHUNK, DW), jnp.float32),
            pltpu.VMEM_SHARED((ACC_ROWS, DW), jnp.float32),
            pltpu.SemaphoreType.DMA,
            pltpu.SemaphoreType.DMA,
            pltpu.SemaphoreType.DMA,
        ],
        compiler_params=pltpu.CompilerParams(use_tc_tiling_on_sc=False),
    )
    def segsum(tab1_hbm, tab2_hbm, slab1_hbm, slab2_hbm, zeros_hbm,
               out1_hbm, out2_hbm,
               idx_a, idx_b, rows_a, rows_b, acc, sem_a, sem_b, sem_ib):
        cid = lax.axis_index("c")
        sid = lax.axis_index("s")
        r0 = sid * ROWS_PER_SUB

        def phase(table_hbm, slab_hbm, out_hbm, n_chunks, out_idx, base):
            pltpu.sync_copy(zeros_hbm.at[pl.ds(r0, ROWS_PER_SUB)],
                            acc.at[pl.ds(r0, ROWS_PER_SUB)])
            plsc.subcore_barrier()
            pltpu.sync_copy(slab_hbm.at[base], idx_a)
            pltpu.async_copy(table_hbm.at[idx_a.at[0]], rows_a, sem_a)
            pltpu.async_copy(slab_hbm.at[base + 1], idx_b, sem_ib)

            @pl.loop(0, n_chunks, step=2)
            def _(j):
                pltpu.make_async_copy(slab_hbm.at[base + j + 1], idx_b,
                                      sem_ib).wait()
                pltpu.async_copy(table_hbm.at[idx_b.at[0]], rows_b, sem_b)
                pltpu.make_async_copy(table_hbm.at[idx_a.at[0]], rows_a,
                                      sem_a).wait()
                pltpu.sync_copy(rows_a, acc.at[idx_a.at[1]], add=True)

                @pl.when(j + 2 < n_chunks)
                def _():
                    pltpu.sync_copy(slab_hbm.at[base + j + 2], idx_a)
                    pltpu.async_copy(table_hbm.at[idx_a.at[0]], rows_a, sem_a)

                pltpu.make_async_copy(table_hbm.at[idx_b.at[0]], rows_b,
                                      sem_b).wait()
                pltpu.sync_copy(rows_b, acc.at[idx_b.at[1]], add=True)

                @pl.when(j + 3 < n_chunks)
                def _():
                    pltpu.async_copy(slab_hbm.at[base + j + 3], idx_b, sem_ib)

            plsc.subcore_barrier()
            pltpu.sync_copy(acc.at[pl.ds(r0, ROWS_PER_SUB)],
                            out_hbm.at[out_idx].at[pl.ds(r0, ROWS_PER_SUB)])

        @pl.when(cid == 0)
        def _():
            phase(tab1_hbm, slab1_hbm, out1_hbm, nch1a, 0, sid * nch1a)
            phase(tab2_hbm, slab2_hbm, out2_hbm, nch2, 0, sid * nch2)

        @pl.when(cid == 1)
        def _():
            phase(tab1_hbm, slab1_hbm, out1_hbm, nch1b, 1,
                  NS * nch1a + sid * nch1b)

    return segsum


def _edge_chunks(src, dst, n_chunks_total):
    pad = n_chunks_total * CHUNK - src.shape[0]
    dummy = N_ATOM + jnp.arange(pad, dtype=jnp.int32) % (ACC_ROWS - N_ATOM)
    src_p = jnp.concatenate([src, jnp.zeros((pad,), jnp.int32)])
    dst_p = jnp.concatenate([dst, dummy])
    return jnp.stack([src_p.reshape(-1, CHUNK),
                      dst_p.reshape(-1, CHUNK)], axis=1)


BLK = 2000


def _mlp_body(master_ref, p1_ref, p2_ref, w1_ref, b1_ref, w2_ref, b2_ref,
              w3_ref, b3_ref, out_ref):
    s1 = p1_ref[0] + p1_ref[1]
    s2 = p2_ref[0]
    m1 = s1[:, :D] / jnp.maximum(s1[:, D:D + 1], 1.0)
    m2 = s2[:, :D] / jnp.maximum(s2[:, D:D + 1], 1.0)
    ft = jnp.concatenate([master_ref[...], m1, m2], axis=1)
    h = jax.nn.softplus(
        jnp.dot(ft, w1_ref[...], preferred_element_type=jnp.float32) + b1_ref[...])
    h = jax.nn.softplus(
        jnp.dot(h, w2_ref[...], preferred_element_type=jnp.float32) + b2_ref[...])
    out_ref[...] = (
        jnp.dot(h, w3_ref[...], preferred_element_type=jnp.float32) + b3_ref[...])


def _mlp(master, p1, p2, W1, b1, W2, b2, W3, b3):
    n_blk = N_ATOM // BLK
    return pl.pallas_call(
        _mlp_body,
        grid=(n_blk,),
        in_specs=[
            pl.BlockSpec((BLK, D), lambda i: (i, 0)),
            pl.BlockSpec((NC, BLK, DW), lambda i: (0, i, 0)),
            pl.BlockSpec((1, BLK, DW), lambda i: (0, i, 0)),
            pl.BlockSpec((3 * D, 64), lambda i: (0, 0)),
            pl.BlockSpec((1, 64), lambda i: (0, 0)),
            pl.BlockSpec((64, 64), lambda i: (0, 0)),
            pl.BlockSpec((1, 64), lambda i: (0, 0)),
            pl.BlockSpec((64, 32), lambda i: (0, 0)),
            pl.BlockSpec((1, 32), lambda i: (0, 0)),
        ],
        out_specs=pl.BlockSpec((BLK, 32), lambda i: (i, 0)),
        out_shape=jax.ShapeDtypeStruct((N_ATOM, 32), jnp.float32),
    )(master, p1, p2, W1, b1.reshape(1, -1), W2, b2.reshape(1, -1),
      W3, b3.reshape(1, -1))


def kernel(master_feats, bond_feats, global_feats, edge_index_bond,
           src_global, dst_global, W1, b1, W2, b2, W3, b3):
    ones16_b = jnp.ones((N_BOND, 16), jnp.float32)
    ones16_g = jnp.ones((N_GLOBAL, 16), jnp.float32)
    bond_ext = jnp.concatenate([bond_feats, ones16_b], axis=1)
    glob_ext = jnp.concatenate([global_feats, ones16_g], axis=1)
    zeros = jnp.zeros((ACC_ROWS, DW), jnp.float32)

    nch2 = _ceil_div(E_GLOBAL, NS * CHUNK)
    nch2 += nch2 % 2
    slab1 = _edge_chunks(edge_index_bond[0], edge_index_bond[1],
                         NS * (NCH_C0 + NCH_C1))
    slab2 = _edge_chunks(src_global, dst_global, NS * nch2)

    p1, p2 = _make_segsum(NCH_C0, NCH_C1, nch2)(bond_ext, glob_ext,
                                                slab1, slab2, zeros)

    return _mlp(master_feats, p1, p2, W1, b1, W2, b2, W3, b3)

# --- scband reference (transcript-rebuilt; emitter-appended) ---
"""Pipeline reference for scband-atom-update-layer-18373870092601 (READ-ONLY COPY).

The authoritative reference and input builder live on the scoring server;
editing this copy changes nothing except your own understanding.
"""

import jax, jax.numpy as jnp
import numpy as np

N_ATOM = 10000
N_BOND = 10000
N_GLOBAL = 64
E_BOND = 320000
E_GLOBAL = 10000
D = 128
IN_SIZE = 3 * D  # atom + bond + global after two concat-mean aggregations
OUT_SIZES = [64, 64, 32]


def setup_inputs(seed: int = 0) -> dict:
    key = jax.random.key(seed)
    ks = [jax.random.fold_in(key, i) for i in range(16)]
    inp = {}
    inp["master_feats"] = jax.random.normal(ks[0], (N_ATOM, D), dtype=jnp.float32)
    inp["bond_feats"] = jax.random.normal(ks[1], (N_BOND, D), dtype=jnp.float32)
    inp["global_feats"] = jax.random.normal(ks[2], (N_GLOBAL, D), dtype=jnp.float32)
    inp["edge_index_bond"] = jax.random.randint(ks[3], (2, E_BOND), 0, N_BOND, dtype=jnp.int64 if jax.config.jax_enable_x64 else jnp.int32).astype(jnp.int32)
    inp["src_global"] = jax.random.randint(ks[4], (E_GLOBAL,), 0, N_GLOBAL).astype(jnp.int32)
    inp["dst_global"] = jax.random.randint(ks[5], (E_GLOBAL,), 0, N_ATOM).astype(jnp.int32)
    # LinearN parameters: in_size -> 64 -> 64 -> 32, bias on all layers
    sizes = [IN_SIZE] + OUT_SIZES
    for i in range(3):
        fan_in = sizes[i]
        inp[f"W{i+1}"] = jax.random.normal(ks[6 + 2 * i], (sizes[i], sizes[i + 1]), dtype=jnp.float32) * (1.0 / np.sqrt(fan_in))
        inp[f"b{i+1}"] = jax.random.normal(ks[7 + 2 * i], (sizes[i + 1],), dtype=jnp.float32) * 0.01
    return inp


def _segment_mean(msg, dst, num_segments):
    summed = jax.ops.segment_sum(msg, dst, num_segments=num_segments)
    deg = jax.ops.segment_sum(jnp.ones((dst.shape[0],), dtype=msg.dtype), dst, num_segments=num_segments)
    return summed / jnp.maximum(deg, 1.0)[:, None]


def reference(master_feats, bond_feats, global_feats, edge_index_bond, src_global, dst_global, W1, b1, W2, b2, W3, b3):
    N = master_feats.shape[0]
    # etype (bond, b2a, atom): copy_u('ft','m'), mean('m','m'), then ft = cat([ft, m])
    src_b = edge_index_bond[0]
    dst_b = edge_index_bond[1]
    m1 = _segment_mean(bond_feats[src_b], dst_b, N)
    ft = jnp.concatenate([master_feats, m1], axis=1)
    # etype (global, g2a, atom): same pattern, ft = cat([ft, m])
    m2 = _segment_mean(global_feats[src_global], dst_global, N)
    ft = jnp.concatenate([ft, m2], axis=1)
    # LinearN: Linear -> Softplus -> Linear -> Softplus -> Linear -> Identity
    h = jax.nn.softplus(ft @ W1 + b1)
    h = jax.nn.softplus(h @ W2 + b2)
    out = h @ W3 + b3
    return out

if __name__ == "__main__":
    import jax
    _d = setup_inputs()
    print(jax.jit(kernel)(*tuple(_d.values())))

</pallas_src>

<mosaic_0001>
#map = affine_map<(d0, d1) -> (0, 0)>
#map1 = affine_map<(d0, d1) -> (0, 0, 0)>
module attributes {stable_mosaic.version = 14 : i64} {
  func.func @segsum(%arg0: i32, %arg1: i32, %arg2: memref<10000x144xf32, #tpu.memory_space<hbm>>, %arg3: memref<64x144xf32, #tpu.memory_space<hbm>>, %arg4: memref<2528x2x128xi32, #tpu.memory_space<hbm>>, %arg5: memref<96x2x128xi32, #tpu.memory_space<hbm>>, %arg6: memref<10112x144xf32, #tpu.memory_space<hbm>>, %arg7: memref<2x10112x144xf32, #tpu.memory_space<hbm>>, %arg8: memref<1x10112x144xf32, #tpu.memory_space<hbm>>, %arg9: memref<2x128xi32, #tpu.memory_space<vmem>>, %arg10: memref<2x128xi32, #tpu.memory_space<vmem>>, %arg11: memref<128x144xf32, #tpu.memory_space<vmem>>, %arg12: memref<128x144xf32, #tpu.memory_space<vmem>>, %arg13: memref<10112x144xf32, #tpu.memory_space<vmem_shared>>, %arg14: memref<!tpu.dma_semaphore, #tpu.memory_space<semaphore_mem>>, %arg15: memref<!tpu.dma_semaphore, #tpu.memory_space<semaphore_mem>>, %arg16: memref<!tpu.dma_semaphore, #tpu.memory_space<semaphore_mem>>) attributes {dimension_semantics = [#tpu.dimension_semantics<core_parallel>, #tpu.dimension_semantics<subcore_parallel>], iteration_bounds = array<i64: 2, 16>, scalar_prefetch = 0 : i64, scratch_operands = 8 : i64, tpu.core_type = #tpu.core_type<sc_vector_subcore>, window_params = [{transform_indices = #map}, {transform_indices = #map}, {transform_indices = #map1}, {transform_indices = #map1}, {transform_indices = #map}, {transform_indices = #map1}, {transform_indices = #map1}]} {
    %mul3A = arith.constant 632 : i32
    %mul3A_0 = arith.muli %arg1, %mul3A : i32
    %eq3A = arith.constant 0 : i32
    %eq3A_1 = arith.cmpi eq, %arg0, %eq3A : i32
    %convert_element_type3A = arith.extui %eq3A_1 : i1 to i32
    %cond3A = arith.constant 0 : i32
    %cond3A_2 = arith.cmpi ne, %convert_element_type3A, %cond3A : i32
    scf.if %cond3A_2 {
      %mul3A_8 = arith.constant 102 : i32
      %mul3A_9 = arith.muli %arg1, %mul3A_8 : i32
      "tpu.region"() ({
        %run_scoped3A_57 = tpu.sem_alloc : memref<!tpu.dma_semaphore, #tpu.memory_space<semaphore_mem>>
        %dma_start3A_58 = arith.constant 0 : i32
        %dma_start3A_59 = tpu.memref_slice %arg13[%mul3A_0, %dma_start3A_58] : memref<10112x144xf32, #tpu.memory_space<vmem_shared>> -> memref<632x144xf32, #tpu.memory_space<vmem_shared>>
        %dma_start3A_60 = arith.constant 0 : i32
        %dma_start3A_61 = tpu.memref_slice %arg6[%mul3A_0, %dma_start3A_60] : memref<10112x144xf32, #tpu.memory_space<hbm>> -> memref<632x144xf32, #tpu.memory_space<hbm>>
        tpu.enqueue_dma source(%dma_start3A_61 : memref<632x144xf32, #tpu.memory_space<hbm>>) target(%dma_start3A_59 : memref<632x144xf32, #tpu.memory_space<vmem_shared>>) target_semaphore(%run_scoped3A_57 : memref<!tpu.dma_semaphore, #tpu.memory_space<semaphore_mem>>)
        %dma_wait3A = arith.constant 0 : i32
        %dma_wait3A_62 = tpu.memref_slice %arg13[%mul3A_0, %dma_wait3A] : memref<10112x144xf32, #tpu.memory_space<vmem_shared>> -> memref<632x144xf32, #tpu.memory_space<vmem_shared>>
        %dma_wait3A_63 = arith.constant 0 : i32
        %dma_wait3A_64 = tpu.memref_slice %arg6[%mul3A_0, %dma_wait3A_63] : memref<10112x144xf32, #tpu.memory_space<hbm>> -> memref<632x144xf32, #tpu.memory_space<hbm>>
        tpu.wait_dma2 semaphore(%run_scoped3A_57 : memref<!tpu.dma_semaphore, #tpu.memory_space<semaphore_mem>>) src(%dma_wait3A_64 : memref<632x144xf32, #tpu.memory_space<hbm>>) dst(%dma_wait3A_62 : memref<632x144xf32, #tpu.memory_space<vmem_shared>>)
        tpu.yield
      }) : () -> ()
      %barrier3A = arith.constant 0 : index
      tpu.barrier barrier_id(%barrier3A)
      "tpu.region"() ({
        %run_scoped3A_57 = tpu.sem_alloc : memref<!tpu.dma_semaphore, #tpu.memory_space<semaphore_mem>>
        %dma_start3A_58 = arith.constant 0 : i32
        %dma_start3A_59 = arith.constant 0 : i32
        %dma_start3A_60 = tpu.memref_slice %arg4[%mul3A_9, %dma_start3A_58, %dma_start3A_59] : memref<2528x2x128xi32, #tpu.memory_space<hbm>> -> memref<1x2x128xi32, #tpu.memory_space<hbm>>
        %dma_start3A_61 = tpu.memref_squeeze %dma_start3A_60 : memref<1x2x128xi32, #tpu.memory_space<hbm>> -> memref<2x128xi32, #tpu.memory_space<hbm>>
        %dma_start3A_62 = arith.constant 0 : i32
        %dma_start3A_63 = arith.constant 0 : i32
        %dma_start3A_64 = tpu.memref_slice %arg4[%mul3A_9, %dma_start3A_62, %dma_start3A_63] : memref<2528x2x128xi32, #tpu.memory_space<hbm>> -> memref<1x2x128xi32, #tpu.memory_space<hbm>>
        %dma_start3A_65 = tpu.memref_squeeze %dma_start3A_64 : memref<1x2x128xi32, #tpu.memory_space<hbm>> -> memref<2x128xi32, #tpu.memory_space<hbm>>
        tpu.enqueue_dma source(%dma_start3A_65 : memref<2x128xi32, #tpu.memory_space<hbm>>) target(%arg9 : memref<2x128xi32, #tpu.memory_space<vmem>>) target_semaphore(%run_scoped3A_57 : memref<!tpu.dma_semaphore, #tpu.memory_space<semaphore_mem>>)
        %dma_wait3A = arith.constant 0 : i32
        %dma_wait3A_66 = arith.constant 0 : i32
        %dma_wait3A_67 = tpu.memref_slice %arg4[%mul3A_9, %dma_wait3A, %dma_wait3A_66] : memref<2528x2x128xi32, #tpu.memory_space<hbm>> -> memref<1x2x128xi32, #tpu.memory_space<hbm>>
        %dma_wait3A_68 = tpu.memref_squeeze %dma_wait3A_67 : memref<1x2x128xi32, #tpu.memory_space<hbm>> -> memref<2x128xi32, #tpu.memory_space<hbm>>
        %dma_wait3A_69 = arith.constant 0 : i32
        %dma_wait3A_70 = arith.constant 0 : i32
        %dma_wait3A_71 = tpu.memref_slice %arg4[%mul3A_9, %dma_wait3A_69, %dma_wait3A_70] : memref<2528x2x128xi32, #tpu.memory_space<hbm>> -> memref<1x2x128xi32, #tpu.memory_space<hbm>>
        %dma_wait3A_72 = tpu.memref_squeeze %dma_wait3A_71 : memref<1x2x128xi32, #tpu.memory_space<hbm>> -> memref<2x128xi32, #tpu.memory_space<hbm>>
        tpu.wait_dma2 semaphore(%run_scoped3A_57 : memref<!tpu.dma_semaphore, #tpu.memory_space<semaphore_mem>>) src(%dma_wait3A_72 : memref<2x128xi32, #tpu.memory_space<hbm>>) dst(%arg9 : memref<2x128xi32, #tpu.memory_space<vmem>>)
        tpu.yield
      }) : () -> ()
      %dma_start3A = arith.constant 0 : i32
      %dma_start3A_10 = arith.constant 0 : i32
      %dma_start3A_11 = tpu.memref_slice %arg9[%dma_start3A, %dma_start3A_10] : memref<2x128xi32, #tpu.memory_space<vmem>> -> memref<1x128xi32, #tpu.memory_space<vmem>>
      %dma_start3A_12 = tpu.memref_squeeze %dma_start3A_11 : memref<1x128xi32, #tpu.memory_space<vmem>> -> memref<128xi32, #tpu.memory_space<vmem>>
      %dma_start3A_13 = arith.constant 0 : i32
      %dma_start3A_14 = arith.constant 0 : i32
      %dma_start3A_15 = tpu.memref_slice %arg2[%dma_start3A_13, %dma_start3A_14] : memref<10000x144xf32, #tpu.memory_space<hbm>> -> memref<10000x144xf32, #tpu.memory_space<hbm>>
      tpu.enqueue_indirect_dma source(%dma_start3A_15 : memref<10000x144xf32, #tpu.memory_space<hbm>>) target(%arg11 : memref<128x144xf32, #tpu.memory_space<vmem>>) offsets(%dma_start3A_12 : memref<128xi32, #tpu.memory_space<vmem>>) semaphore(%arg14 : memref<!tpu.dma_semaphore, #tpu.memory_space<semaphore_mem>>)
      %add3A = arith.constant 1 : i32
      %add3A_16 = arith.addi %mul3A_9, %add3A : i32
      %dma_start3A_17 = arith.constant 0 : i32
      %dma_start3A_18 = arith.constant 0 : i32
      %dma_start3A_19 = tpu.memref_slice %arg4[%add3A_16, %dma_start3A_17, %dma_start3A_18] : memref<2528x2x128xi32, #tpu.memory_space<hbm>> -> memref<1x2x128xi32, #tpu.memory_space<hbm>>
      %dma_start3A_20 = tpu.memref_squeeze %dma_start3A_19 : memref<1x2x128xi32, #tpu.memory_space<hbm>> -> memref<2x128xi32, #tpu.memory_space<hbm>>
      %dma_start3A_21 = arith.constant 0 : i32
      %dma_start3A_22 = arith.constant 0 : i32
      %dma_start3A_23 = tpu.memref_slice %arg4[%add3A_16, %dma_start3A_21, %dma_start3A_22] : memref<2528x2x128xi32, #tpu.memory_space<hbm>> -> memref<1x2x128xi32, #tpu.memory_space<hbm>>
      %dma_start3A_24 = tpu.memref_squeeze %dma_start3A_23 : memref<1x2x128xi32, #tpu.memory_space<hbm>> -> memref<2x128xi32, #tpu.memory_space<hbm>>
      tpu.enqueue_dma source(%dma_start3A_24 : memref<2x128xi32, #tpu.memory_space<hbm>>) target(%arg10 : memref<2x128xi32, #tpu.memory_space<vmem>>) target_semaphore(%arg16 : memref<!tpu.dma_semaphore, #tpu.memory_space<semaphore_mem>>)
      %scan3A = arith.constant 0 : i32
      %scan3A_25 = arith.constant 51 : i32
      %scan3A_26 = arith.addi %scan3A, %scan3A_25 : i32
      %scan3A_27 = arith.constant 1 : i32
      scf.for %scan3A_57 = %scan3A to %scan3A_26 step %scan3A_27  : i32 {
        %mul3A_58 = arith.constant 2 : i32
        %mul3A_59 = arith.muli %scan3A_57, %mul3A_58 : i32
        %add3A_60 = arith.constant 0 : i32
        %add3A_61 = arith.addi %add3A_60, %mul3A_59 : i32
        %add3A_62 = arith.addi %mul3A_9, %add3A_61 : i32
        %add3A_63 = arith.constant 1 : i32
        %add3A_64 = arith.addi %add3A_62, %add3A_63 : i32
        %dma_wait3A = arith.constant 0 : i32
        %dma_wait3A_65 = arith.constant 0 : i32
        %dma_wait3A_66 = tpu.memref_slice %arg4[%add3A_64, %dma_wait3A, %dma_wait3A_65] : memref<2528x2x128xi32, #tpu.memory_space<hbm>> -> memref<1x2x128xi32, #tpu.memory_space<hbm>>
        %dma_wait3A_67 = tpu.memref_squeeze %dma_wait3A_66 : memref<1x2x128xi32, #tpu.memory_space<hbm>> -> memref<2x128xi32, #tpu.memory_space<hbm>>
        %dma_wait3A_68 = arith.constant 0 : i32
        %dma_wait3A_69 = arith.constant 0 : i32
        %dma_wait3A_70 = tpu.memref_slice %arg4[%add3A_64, %dma_wait3A_68, %dma_wait3A_69] : memref<2528x2x128xi32, #tpu.memory_space<hbm>> -> memref<1x2x128xi32, #tpu.memory_space<hbm>>
        %dma_wait3A_71 = tpu.memref_squeeze %dma_wait3A_70 : memref<1x2x128xi32, #tpu.memory_space<hbm>> -> memref<2x128xi32, #tpu.memory_space<hbm>>
        tpu.wait_dma2 semaphore(%arg16 : memref<!tpu.dma_semaphore, #tpu.memory_space<semaphore_mem>>) src(%dma_wait3A_71 : memref<2x128xi32, #tpu.memory_space<hbm>>) dst(%arg10 : memref<2x128xi32, #tpu.memory_space<vmem>>)
        %dma_start3A_72 = arith.constant 0 : i32
        %dma_start3A_73 = arith.constant 0 : i32
        %dma_start3A_74 = tpu.memref_slice %arg10[%dma_start3A_72, %dma_start3A_73] : memref<2x128xi32, #tpu.memory_space<vmem>> -> memref<1x128xi32, #tpu.memory_space<vmem>>
        %dma_start3A_75 = tpu.memref_squeeze %dma_start3A_74 : memref<1x128xi32, #tpu.memory_space<vmem>> -> memref<128xi32, #tpu.memory_space<vmem>>
        %dma_start3A_76 = arith.constant 0 : i32
        %dma_start3A_77 = arith.constant 0 : i32
        %dma_start3A_78 = tpu.memref_slice %arg2[%dma_start3A_76, %dma_start3A_77] : memref<10000x144xf32, #tpu.memory_space<hbm>> -> memref<10000x144xf32, #tpu.memory_space<hbm>>
        tpu.enqueue_indirect_dma source(%dma_start3A_78 : memref<10000x144xf32, #tpu.memory_space<hbm>>) target(%arg12 : memref<128x144xf32, #tpu.memory_space<vmem>>) offsets(%dma_start3A_75 : memref<128xi32, #tpu.memory_space<vmem>>) semaphore(%arg15 : memref<!tpu.dma_semaphore, #tpu.memory_space<semaphore_mem>>)
        %dma_wait3A_79 = arith.constant 0 : i32
        %dma_wait3A_80 = arith.constant 0 : i32
        %dma_wait3A_81 = tpu.memref_slice %arg9[%dma_wait3A_79, %dma_wait3A_80] : memref<2x128xi32, #tpu.memory_space<vmem>> -> memref<1x128xi32, #tpu.memory_space<vmem>>
        %dma_wait3A_82 = tpu.memref_squeeze %dma_wait3A_81 : memref<1x128xi32, #tpu.memory_space<vmem>> -> memref<128xi32, #tpu.memory_space<vmem>>
        %dma_wait3A_83 = arith.constant 0 : i32
        %dma_wait3A_84 = arith.constant 0 : i32
        %dma_wait3A_85 = tpu.memref_slice %arg2[%dma_wait3A_83, %dma_wait3A_84] : memref<10000x144xf32, #tpu.memory_space<hbm>> -> memref<10000x144xf32, #tpu.memory_space<hbm>>
        tpu.wait_indirect_dma semaphore(%arg14 : memref<!tpu.dma_semaphore, #tpu.memory_space<semaphore_mem>>) src(%dma_wait3A_85 : memref<10000x144xf32, #tpu.memory_space<hbm>>) dst(%arg11 : memref<128x144xf32, #tpu.memory_space<vmem>>)
        %run_scoped3A_86 = arith.constant 1 : i32
        "tpu.region"() ({
          %run_scoped3A_108 = tpu.sem_alloc : memref<!tpu.dma_semaphore, #tpu.memory_space<semaphore_mem>>
          %dma_start3A_109 = arith.constant 0 : i32
          %dma_start3A_110 = tpu.memref_slice %arg9[%run_scoped3A_86, %dma_start3A_109] : memref<2x128xi32, #tpu.memory_space<vmem>> -> memref<1x128xi32, #tpu.memory_space<vmem>>
          %dma_start3A_111 = tpu.memref_squeeze %dma_start3A_110 : memref<1x128xi32, #tpu.memory_space<vmem>> -> memref<128xi32, #tpu.memory_space<vmem>>
          %dma_start3A_112 = arith.constant 0 : i32
          %dma_start3A_113 = arith.constant 0 : i32
          %dma_start3A_114 = tpu.memref_slice %arg13[%dma_start3A_112, %dma_start3A_113] : memref<10112x144xf32, #tpu.memory_space<vmem_shared>> -> memref<10112x144xf32, #tpu.memory_space<vmem_shared>>
          tpu.enqueue_indirect_dma source(%arg11 : memref<128x144xf32, #tpu.memory_space<vmem>>) target(%dma_start3A_114 : memref<10112x144xf32, #tpu.memory_space<vmem_shared>>) offsets(%dma_start3A_111 : memref<128xi32, #tpu.memory_space<vmem>>) semaphore(%run_scoped3A_108 : memref<!tpu.dma_semaphore, #tpu.memory_space<semaphore_mem>>) {add = true}
          %dma_wait3A_115 = arith.constant 0 : i32
          %dma_wait3A_116 = tpu.memref_slice %arg9[%run_scoped3A_86, %dma_wait3A_115] : memref<2x128xi32, #tpu.memory_space<vmem>> -> memref<1x128xi32, #tpu.memory_space<vmem>>
          %dma_wait3A_117 = tpu.memref_squeeze %dma_wait3A_116 : memref<1x128xi32, #tpu.memory_space<vmem>> -> memref<128xi32, #tpu.memory_space<vmem>>
          %dma_wait3A_118 = arith.constant 0 : i32
          %dma_wait3A_119 = arith.constant 0 : i32
          %dma_wait3A_120 = tpu.memref_slice %arg13[%dma_wait3A_118, %dma_wait3A_119] : memref<10112x144xf32, #tpu.memory_space<vmem_shared>> -> memref<10112x144xf32, #tpu.memory_space<vmem_shared>>
          tpu.wait_indirect_dma semaphore(%run_scoped3A_108 : memref<!tpu.dma_semaphore, #tpu.memory_space<semaphore_mem>>) src(%arg11 : memref<128x144xf32, #tpu.memory_space<vmem>>) dst(%dma_wait3A_120 : memref<10112x144xf32, #tpu.memory_space<vmem_shared>>)
          tpu.yield
        }) : () -> ()
        %add3A_87 = arith.constant 2 : i32
        %add3A_88 = arith.addi %add3A_61, %add3A_87 : i32
        %lt3A = arith.constant 102 : i32
        %lt3A_89 = arith.cmpi slt, %add3A_88, %lt3A : i32
        %convert_element_type3A_90 = arith.extui %lt3A_89 : i1 to i32
        %cond3A_91 = arith.constant 0 : i32
        %cond3A_92 = arith.cmpi ne, %convert_element_type3A_90, %cond3A_91 : i32
        scf.if %cond3A_92 {
          %add3A_108 = arith.addi %mul3A_9, %add3A_61 : i32
          %add3A_109 = arith.constant 2 : i32
          %add3A_110 = arith.addi %add3A_108, %add3A_109 : i32
          "tpu.region"() ({
            %run_scoped3A_118 = tpu.sem_alloc : memref<!tpu.dma_semaphore, #tpu.memory_space<semaphore_mem>>
            %dma_start3A_119 = arith.constant 0 : i32
            %dma_start3A_120 = arith.constant 0 : i32
            %dma_start3A_121 = tpu.memref_slice %arg4[%add3A_110, %dma_start3A_119, %dma_start3A_120] : memref<2528x2x128xi32, #tpu.memory_space<hbm>> -> memref<1x2x128xi32, #tpu.memory_space<hbm>>
            %dma_start3A_122 = tpu.memref_squeeze %dma_start3A_121 : memref<1x2x128xi32, #tpu.memory_space<hbm>> -> memref<2x128xi32, #tpu.memory_space<hbm>>
            %dma_start3A_123 = arith.constant 0 : i32
            %dma_start3A_124 = arith.constant 0 : i32
            %dma_start3A_125 = tpu.memref_slice %arg4[%add3A_110, %dma_start3A_123, %dma_start3A_124] : memref<2528x2x128xi32, #tpu.memory_space<hbm>> -> memref<1x2x128xi32, #tpu.memory_space<hbm>>
            %dma_start3A_126 = tpu.memref_squeeze %dma_start3A_125 : memref<1x2x128xi32, #tpu.memory_space<hbm>> -> memref<2x128xi32, #tpu.memory_space<hbm>>
            tpu.enqueue_dma source(%dma_start3A_126 : memref<2x128xi32, #tpu.memory_space<hbm>>) target(%arg9 : memref<2x128xi32, #tpu.memory_space<vmem>>) target_semaphore(%run_scoped3A_118 : memref<!tpu.dma_semaphore, #tpu.memory_space<semaphore_mem>>)
            %dma_wait3A_127 = arith.constant 0 : i32
            %dma_wait3A_128 = arith.constant 0 : i32
            %dma_wait3A_129 = tpu.memref_slice %arg4[%add3A_110, %dma_wait3A_127, %dma_wait3A_128] : memref<2528x2x128xi32, #tpu.memory_space<hbm>> -> memref<1x2x128xi32, #tpu.memory_space<hbm>>
            %dma_wait3A_130 = tpu.memref_squeeze %dma_wait3A_129 : memref<1x2x128xi32, #tpu.memory_space<hbm>> -> memref<2x128xi32, #tpu.memory_space<hbm>>
            %dma_wait3A_131 = arith.constant 0 : i32
            %dma_wait3A_132 = arith.constant 0 : i32
            %dma_wait3A_133 = tpu.memref_slice %arg4[%add3A_110, %dma_wait3A_131, %dma_wait3A_132] : memref<2528x2x128xi32, #tpu.memory_space<hbm>> -> memref<1x2x128xi32, #tpu.memory_space<hbm>>
            %dma_wait3A_134 = tpu.memref_squeeze %dma_wait3A_133 : memref<1x2x128xi32, #tpu.memory_space<hbm>> -> memref<2x128xi32, #tpu.memory_space<hbm>>
            tpu.wait_dma2 semaphore(%run_scoped3A_118 : memref<!tpu.dma_semaphore, #tpu.memory_space<semaphore_mem>>) src(%dma_wait3A_134 : memref<2x128xi32, #tpu.memory_space<hbm>>) dst(%arg9 : memref<2x128xi32, #tpu.memory_space<vmem>>)
            tpu.yield
          }) : () -> ()
          %dma_start3A_111 = arith.constant 0 : i32
          %dma_start3A_112 = arith.constant 0 : i32
          %dma_start3A_113 = tpu.memref_slice %arg9[%dma_start3A_111, %dma_start3A_112] : memref<2x128xi32, #tpu.memory_space<vmem>> -> memref<1x128xi32, #tpu.memory_space<vmem>>
          %dma_start3A_114 = tpu.memref_squeeze %dma_start3A_113 : memref<1x128xi32, #tpu.memory_space<vmem>> -> memref<128xi32, #tpu.memory_space<vmem>>
          %dma_start3A_115 = arith.constant 0 : i32
          %dma_start3A_116 = arith.constant 0 : i32
          %dma_start3A_117 = tpu.memref_slice %arg2[%dma_start3A_115, %dma_start3A_116] : memref<10000x144xf32, #tpu.memory_space<hbm>> -> memref<10000x144xf32, #tpu.memory_space<hbm>>
          tpu.enqueue_indirect_dma source(%dma_start3A_117 : memref<10000x144xf32, #tpu.memory_space<hbm>>) target(%arg11 : memref<128x144xf32, #tpu.memory_space<vmem>>) offsets(%dma_start3A_114 : memref<128xi32, #tpu.memory_space<vmem>>) semaphore(%arg14 : memref<!tpu.dma_semaphore, #tpu.memory_space<semaphore_mem>>)
        } else {
        }
        %dma_wait3A_93 = arith.constant 0 : i32
        %dma_wait3A_94 = arith.constant 0 : i32
        %dma_wait3A_95 = tpu.memref_slice %arg10[%dma_wait3A_93, %dma_wait3A_94] : memref<2x128xi32, #tpu.memory_space<vmem>> -> memref<1x128xi32, #tpu.memory_space<vmem>>
        %dma_wait3A_96 = tpu.memref_squeeze %dma_wait3A_95 : memref<1x128xi32, #tpu.memory_space<vmem>> -> memref<128xi32, #tpu.memory_space<vmem>>
        %dma_wait3A_97 = arith.constant 0 : i32
        %dma_wait3A_98 = arith.constant 0 : i32
        %dma_wait3A_99 = tpu.memref_slice %arg2[%dma_wait3A_97, %dma_wait3A_98] : memref<10000x144xf32, #tpu.memory_space<hbm>> -> memref<10000x144xf32, #tpu.memory_space<hbm>>
        tpu.wait_indirect_dma semaphore(%arg15 : memref<!tpu.dma_semaphore, #tpu.memory_space<semaphore_mem>>) src(%dma_wait3A_99 : memref<10000x144xf32, #tpu.memory_space<hbm>>) dst(%arg12 : memref<128x144xf32, #tpu.memory_space<vmem>>)
        %run_scoped3A_100 = arith.constant 1 : i32
        "tpu.region"() ({
          %run_scoped3A_108 = tpu.sem_alloc : memref<!tpu.dma_semaphore, #tpu.memory_space<semaphore_mem>>
          %dma_start3A_109 = arith.constant 0 : i32
          %dma_start3A_110 = tpu.memref_slice %arg10[%run_scoped3A_100, %dma_start3A_109] : memref<2x128xi32, #tpu.memory_space<vmem>> -> memref<1x128xi32, #tpu.memory_space<vmem>>
          %dma_start3A_111 = tpu.memref_squeeze %dma_start3A_110 : memref<1x128xi32, #tpu.memory_space<vmem>> -> memref<128xi32, #tpu.memory_space<vmem>>
          %dma_start3A_112 = arith.constant 0 : i32
          %dma_start3A_113 = arith.constant 0 : i32
          %dma_start3A_114 = tpu.memref_slice %arg13[%dma_start3A_112, %dma_start3A_113] : memref<10112x144xf32, #tpu.memory_space<vmem_shared>> -> memref<10112x144xf32, #tpu.memory_space<vmem_shared>>
          tpu.enqueue_indirect_dma source(%arg12 : memref<128x144xf32, #tpu.memory_space<vmem>>) target(%dma_start3A_114 : memref<10112x144xf32, #tpu.memory_space<vmem_shared>>) offsets(%dma_start3A_111 : memref<128xi32, #tpu.memory_space<vmem>>) semaphore(%run_scoped3A_108 : memref<!tpu.dma_semaphore, #tpu.memory_space<semaphore_mem>>) {add = true}
          %dma_wait3A_115 = arith.constant 0 : i32
          %dma_wait3A_116 = tpu.memref_slice %arg10[%run_scoped3A_100, %dma_wait3A_115] : memref<2x128xi32, #tpu.memory_space<vmem>> -> memref<1x128xi32, #tpu.memory_space<vmem>>
          %dma_wait3A_117 = tpu.memref_squeeze %dma_wait3A_116 : memref<1x128xi32, #tpu.memory_space<vmem>> -> memref<128xi32, #tpu.memory_space<vmem>>
          %dma_wait3A_118 = arith.constant 0 : i32
          %dma_wait3A_119 = arith.constant 0 : i32
          %dma_wait3A_120 = tpu.memref_slice %arg13[%dma_wait3A_118, %dma_wait3A_119] : memref<10112x144xf32, #tpu.memory_space<vmem_shared>> -> memref<10112x144xf32, #tpu.memory_space<vmem_shared>>
          tpu.wait_indirect_dma semaphore(%run_scoped3A_108 : memref<!tpu.dma_semaphore, #tpu.memory_space<semaphore_mem>>) src(%arg12 : memref<128x144xf32, #tpu.memory_space<vmem>>) dst(%dma_wait3A_120 : memref<10112x144xf32, #tpu.memory_space<vmem_shared>>)
          tpu.yield
        }) : () -> ()
        %add3A_101 = arith.constant 3 : i32
        %add3A_102 = arith.addi %add3A_61, %add3A_101 : i32
        %lt3A_103 = arith.constant 102 : i32
        %lt3A_104 = arith.cmpi slt, %add3A_102, %lt3A_103 : i32
        %convert_element_type3A_105 = arith.extui %lt3A_104 : i1 to i32
        %cond3A_106 = arith.constant 0 : i32
        %cond3A_107 = arith.cmpi ne, %convert_element_type3A_105, %cond3A_106 : i32
        scf.if %cond3A_107 {
          %add3A_108 = arith.addi %mul3A_9, %add3A_61 : i32
          %add3A_109 = arith.constant 3 : i32
          %add3A_110 = arith.addi %add3A_108, %add3A_109 : i32
          %dma_start3A_111 = arith.constant 0 : i32
          %dma_start3A_112 = arith.constant 0 : i32
          %dma_start3A_113 = tpu.memref_slice %arg4[%add3A_110, %dma_start3A_111, %dma_start3A_112] : memref<2528x2x128xi32, #tpu.memory_space<hbm>> -> memref<1x2x128xi32, #tpu.memory_space<hbm>>
          %dma_start3A_114 = tpu.memref_squeeze %dma_start3A_113 : memref<1x2x128xi32, #tpu.memory_space<hbm>> -> memref<2x128xi32, #tpu.memory_space<hbm>>
          %dma_start3A_115 = arith.constant 0 : i32
          %dma_start3A_116 = arith.constant 0 : i32
          %dma_start3A_117 = tpu.memref_slice %arg4[%add3A_110, %dma_start3A_115, %dma_start3A_116] : memref<2528x2x128xi32, #tpu.memory_space<hbm>> -> memref<1x2x128xi32, #tpu.memory_space<hbm>>
          %dma_start3A_118 = tpu.memref_squeeze %dma_start3A_117 : memref<1x2x128xi32, #tpu.memory_space<hbm>> -> memref<2x128xi32, #tpu.memory_space<hbm>>
          tpu.enqueue_dma source(%dma_start3A_118 : memref<2x128xi32, #tpu.memory_space<hbm>>) target(%arg10 : memref<2x128xi32, #tpu.memory_space<vmem>>) target_semaphore(%arg16 : memref<!tpu.dma_semaphore, #tpu.memory_space<semaphore_mem>>)
        } else {
        }
      }
      %scan3A_28 = arith.constant 51 : i32
      %barrier3A_29 = arith.constant 0 : index
      tpu.barrier barrier_id(%barrier3A_29)
      %run_scoped3A = arith.constant 0 : i32
      "tpu.region"() ({
        %run_scoped3A_57 = tpu.sem_alloc : memref<!tpu.dma_semaphore, #tpu.memory_space<semaphore_mem>>
        %dma_start3A_58 = arith.constant 0 : i32
        %dma_start3A_59 = arith.constant 0 : i32
        %dma_start3A_60 = tpu.memref_slice %arg7[%run_scoped3A, %dma_start3A_58, %dma_start3A_59] : memref<2x10112x144xf32, #tpu.memory_space<hbm>> -> memref<1x10112x144xf32, #tpu.memory_space<hbm>>
        %dma_start3A_61 = tpu.memref_squeeze %dma_start3A_60 : memref<1x10112x144xf32, #tpu.memory_space<hbm>> -> memref<10112x144xf32, #tpu.memory_space<hbm>>
        %dma_start3A_62 = arith.constant 0 : i32
        %dma_start3A_63 = tpu.memref_slice %dma_start3A_61[%mul3A_0, %dma_start3A_62] : memref<10112x144xf32, #tpu.memory_space<hbm>> -> memref<632x144xf32, #tpu.memory_space<hbm>>
        %dma_start3A_64 = arith.constant 0 : i32
        %dma_start3A_65 = tpu.memref_slice %arg13[%mul3A_0, %dma_start3A_64] : memref<10112x144xf32, #tpu.memory_space<vmem_shared>> -> memref<632x144xf32, #tpu.memory_space<vmem_shared>>
        tpu.enqueue_dma source(%dma_start3A_65 : memref<632x144xf32, #tpu.memory_space<vmem_shared>>) target(%dma_start3A_63 : memref<632x144xf32, #tpu.memory_space<hbm>>) target_semaphore(%run_scoped3A_57 : memref<!tpu.dma_semaphore, #tpu.memory_space<semaphore_mem>>)
        %dma_wait3A = arith.constant 0 : i32
        %dma_wait3A_66 = arith.constant 0 : i32
        %dma_wait3A_67 = tpu.memref_slice %arg7[%run_scoped3A, %dma_wait3A, %dma_wait3A_66] : memref<2x10112x144xf32, #tpu.memory_space<hbm>> -> memref<1x10112x144xf32, #tpu.memory_space<hbm>>
        %dma_wait3A_68 = tpu.memref_squeeze %dma_wait3A_67 : memref<1x10112x144xf32, #tpu.memory_space<hbm>> -> memref<10112x144xf32, #tpu.memory_space<hbm>>
        %dma_wait3A_69 = arith.constant 0 : i32
        %dma_wait3A_70 = tpu.memref_slice %dma_wait3A_68[%mul3A_0, %dma_wait3A_69] : memref<10112x144xf32, #tpu.memory_space<hbm>> -> memref<632x144xf32, #tpu.memory_space<hbm>>
        %dma_wait3A_71 = arith.constant 0 : i32
        %dma_wait3A_72 = tpu.memref_slice %arg13[%mul3A_0, %dma_wait3A_71] : memref<10112x144xf32, #tpu.memory_space<vmem_shared>> -> memref<632x144xf32, #tpu.memory_space<vmem_shared>>
        tpu.wait_dma2 semaphore(%run_scoped3A_57 : memref<!tpu.dma_semaphore, #tpu.memory_space<semaphore_mem>>) src(%dma_wait3A_72 : memref<632x144xf32, #tpu.memory_space<vmem_shared>>) dst(%dma_wait3A_70 : memref<632x144xf32, #tpu.memory_space<hbm>>)
        tpu.yield
      }) : () -> ()
      %mul3A_30 = arith.constant 6 : i32
      %mul3A_31 = arith.muli %arg1, %mul3A_30 : i32
      "tpu.region"() ({
        %run_scoped3A_57 = tpu.sem_alloc : memref<!tpu.dma_semaphore, #tpu.memory_space<semaphore_mem>>
        %dma_start3A_58 = arith.constant 0 : i32
        %dma_start3A_59 = tpu.memref_slice %arg13[%mul3A_0, %dma_start3A_58] : memref<10112x144xf32, #tpu.memory_space<vmem_shared>> -> memref<632x144xf32, #tpu.memory_space<vmem_shared>>
        %dma_start3A_60 = arith.constant 0 : i32
        %dma_start3A_61 = tpu.memref_slice %arg6[%mul3A_0, %dma_start3A_60] : memref<10112x144xf32, #tpu.memory_space<hbm>> -> memref<632x144xf32, #tpu.memory_space<hbm>>
        tpu.enqueue_dma source(%dma_start3A_61 : memref<632x144xf32, #tpu.memory_space<hbm>>) target(%dma_start3A_59 : memref<632x144xf32, #tpu.memory_space<vmem_shared>>) target_semaphore(%run_scoped3A_57 : memref<!tpu.dma_semaphore, #tpu.memory_space<semaphore_mem>>)
        %dma_wait3A = arith.constant 0 : i32
        %dma_wait3A_62 = tpu.memref_slice %arg13[%mul3A_0, %dma_wait3A] : memref<10112x144xf32, #tpu.memory_space<vmem_shared>> -> memref<632x144xf32, #tpu.memory_space<vmem_shared>>
        %dma_wait3A_63 = arith.constant 0 : i32
        %dma_wait3A_64 = tpu.memref_slice %arg6[%mul3A_0, %dma_wait3A_63] : memref<10112x144xf32, #tpu.memory_space<hbm>> -> memref<632x144xf32, #tpu.memory_space<hbm>>
        tpu.wait_dma2 semaphore(%run_scoped3A_57 : memref<!tpu.dma_semaphore, #tpu.memory_space<semaphore_mem>>) src(%dma_wait3A_64 : memref<632x144xf32, #tpu.memory_space<hbm>>) dst(%dma_wait3A_62 : memref<632x144xf32, #tpu.memory_space<vmem_shared>>)
        tpu.yield
      }) : () -> ()
      %barrier3A_32 = arith.constant 0 : index
      tpu.barrier barrier_id(%barrier3A_32)
      "tpu.region"() ({
        %run_scoped3A_57 = tpu.sem_alloc : memref<!tpu.dma_semaphore, #tpu.memory_space<semaphore_mem>>
        %dma_start3A_58 = arith.constant 0 : i32
        %dma_start3A_59 = arith.constant 0 : i32
        %dma_start3A_60 = tpu.memref_slice %arg5[%mul3A_31, %dma_start3A_58, %dma_start3A_59] : memref<96x2x128xi32, #tpu.memory_space<hbm>> -> memref<1x2x128xi32, #tpu.memory_space<hbm>>
        %dma_start3A_61 = tpu.memref_squeeze %dma_start3A_60 : memref<1x2x128xi32, #tpu.memory_space<hbm>> -> memref<2x128xi32, #tpu.memory_space<hbm>>
        %dma_start3A_62 = arith.constant 0 : i32
        %dma_start3A_63 = arith.constant 0 : i32
        %dma_start3A_64 = tpu.memref_slice %arg5[%mul3A_31, %dma_start3A_62, %dma_start3A_63] : memref<96x2x128xi32, #tpu.memory_space<hbm>> -> memref<1x2x128xi32, #tpu.memory_space<hbm>>
        %dma_start3A_65 = tpu.memref_squeeze %dma_start3A_64 : memref<1x2x128xi32, #tpu.memory_space<hbm>> -> memref<2x128xi32, #tpu.memory_space<hbm>>
        tpu.enqueue_dma source(%dma_start3A_65 : memref<2x128xi32, #tpu.memory_space<hbm>>) target(%arg9 : memref<2x128xi32, #tpu.memory_space<vmem>>) target_semaphore(%run_scoped3A_57 : memref<!tpu.dma_semaphore, #tpu.memory_space<semaphore_mem>>)
        %dma_wait3A = arith.constant 0 : i32
        %dma_wait3A_66 = arith.constant 0 : i32
        %dma_wait3A_67 = tpu.memref_slice %arg5[%mul3A_31, %dma_wait3A, %dma_wait3A_66] : memref<96x2x128xi32, #tpu.memory_space<hbm>> -> memref<1x2x128xi32, #tpu.memory_space<hbm>>
        %dma_wait3A_68 = tpu.memref_squeeze %dma_wait3A_67 : memref<1x2x128xi32, #tpu.memory_space<hbm>> -> memref<2x128xi32, #tpu.memory_space<hbm>>
        %dma_wait3A_69 = arith.constant 0 : i32
        %dma_wait3A_70 = arith.constant 0 : i32
        %dma_wait3A_71 = tpu.memref_slice %arg5[%mul3A_31, %dma_wait3A_69, %dma_wait3A_70] : memref<96x2x128xi32, #tpu.memory_space<hbm>> -> memref<1x2x128xi32, #tpu.memory_space<hbm>>
        %dma_wait3A_72 = tpu.memref_squeeze %dma_wait3A_71 : memref<1x2x128xi32, #tpu.memory_space<hbm>> -> memref<2x128xi32, #tpu.memory_space<hbm>>
        tpu.wait_dma2 semaphore(%run_scoped3A_57 : memref<!tpu.dma_semaphore, #tpu.memory_space<semaphore_mem>>) src(%dma_wait3A_72 : memref<2x128xi32, #tpu.memory_space<hbm>>) dst(%arg9 : memref<2x128xi32, #tpu.memory_space<vmem>>)
        tpu.yield
      }) : () -> ()
      %dma_start3A_33 = arith.constant 0 : i32
      %dma_start3A_34 = arith.constant 0 : i32
      %dma_start3A_35 = tpu.memref_slice %arg9[%dma_start3A_33, %dma_start3A_34] : memref<2x128xi32, #tpu.memory_space<vmem>> -> memref<1x128xi32, #tpu.memory_space<vmem>>
      %dma_start3A_36 = tpu.memref_squeeze %dma_start3A_35 : memref<1x128xi32, #tpu.memory_space<vmem>> -> memref<128xi32, #tpu.memory_space<vmem>>
      %dma_start3A_37 = arith.constant 0 : i32
      %dma_start3A_38 = arith.constant 0 : i32
      %dma_start3A_39 = tpu.memref_slice %arg3[%dma_start3A_37, %dma_start3A_38] : memref<64x144xf32, #tpu.memory_space<hbm>> -> memref<64x144xf32, #tpu.memory_space<hbm>>
      tpu.enqueue_indirect_dma source(%dma_start3A_39 : memref<64x144xf32, #tpu.memory_space<hbm>>) target(%arg11 : memref<128x144xf32, #tpu.memory_space<vmem>>) offsets(%dma_start3A_36 : memref<128xi32, #tpu.memory_space<vmem>>) semaphore(%arg14 : memref<!tpu.dma_semaphore, #tpu.memory_space<semaphore_mem>>)
      %add3A_40 = arith.constant 1 : i32
      %add3A_41 = arith.addi %mul3A_31, %add3A_40 : i32
      %dma_start3A_42 = arith.constant 0 : i32
      %dma_start3A_43 = arith.constant 0 : i32
      %dma_start3A_44 = tpu.memref_slice %arg5[%add3A_41, %dma_start3A_42, %dma_start3A_43] : memref<96x2x128xi32, #tpu.memory_space<hbm>> -> memref<1x2x128xi32, #tpu.memory_space<hbm>>
      %dma_start3A_45 = tpu.memref_squeeze %dma_start3A_44 : memref<1x2x128xi32, #tpu.memory_space<hbm>> -> memref<2x128xi32, #tpu.memory_space<hbm>>
      %dma_start3A_46 = arith.constant 0 : i32
      %dma_start3A_47 = arith.constant 0 : i32
      %dma_start3A_48 = tpu.memref_slice %arg5[%add3A_41, %dma_start3A_46, %dma_start3A_47] : memref<96x2x128xi32, #tpu.memory_space<hbm>> -> memref<1x2x128xi32, #tpu.memory_space<hbm>>
      %dma_start3A_49 = tpu.memref_squeeze %dma_start3A_48 : memref<1x2x128xi32, #tpu.memory_space<hbm>> -> memref<2x128xi32, #tpu.memory_space<hbm>>
      tpu.enqueue_dma source(%dma_start3A_49 : memref<2x128xi32, #tpu.memory_space<hbm>>) target(%arg10 : memref<2x128xi32, #tpu.memory_space<vmem>>) target_semaphore(%arg16 : memref<!tpu.dma_semaphore, #tpu.memory_space<semaphore_mem>>)
      %scan3A_50 = arith.constant 0 : i32
      %scan3A_51 = arith.constant 3 : i32
      %scan3A_52 = arith.addi %scan3A_50, %scan3A_51 : i32
      %scan3A_53 = arith.constant 1 : i32
      scf.for %scan3A_57 = %scan3A_50 to %scan3A_52 step %scan3A_53  : i32 {
        %mul3A_58 = arith.constant 2 : i32
        %mul3A_59 = arith.muli %scan3A_57, %mul3A_58 : i32
        %add3A_60 = arith.constant 0 : i32
        %add3A_61 = arith.addi %add3A_60, %mul3A_59 : i32
        %add3A_62 = arith.addi %mul3A_31, %add3A_61 : i32
        %add3A_63 = arith.constant 1 : i32
        %add3A_64 = arith.addi %add3A_62, %add3A_63 : i32
        %dma_wait3A = arith.constant 0 : i32
        %dma_wait3A_65 = arith.constant 0 : i32
        %dma_wait3A_66 = tpu.memref_slice %arg5[%add3A_64, %dma_wait3A, %dma_wait3A_65] : memref<96x2x128xi32, #tpu.memory_space<hbm>> -> memref<1x2x128xi32, #tpu.memory_space<hbm>>
        %dma_wait3A_67 = tpu.memref_squeeze %dma_wait3A_66 : memref<1x2x128xi32, #tpu.memory_space<hbm>> -> memref<2x128xi32, #tpu.memory_space<hbm>>
        %dma_wait3A_68 = arith.constant 0 : i32
        %dma_wait3A_69 = arith.constant 0 : i32
        %dma_wait3A_70 = tpu.memref_slice %arg5[%add3A_64, %dma_wait3A_68, %dma_wait3A_69] : memref<96x2x128xi32, #tpu.memory_space<hbm>> -> memref<1x2x128xi32, #tpu.memory_space<hbm>>
        %dma_wait3A_71 = tpu.memref_squeeze %dma_wait3A_70 : memref<1x2x128xi32, #tpu.memory_space<hbm>> -> memref<2x128xi32, #tpu.memory_space<hbm>>
        tpu.wait_dma2 semaphore(%arg16 : memref<!tpu.dma_semaphore, #tpu.memory_space<semaphore_mem>>) src(%dma_wait3A_71 : memref<2x128xi32, #tpu.memory_space<hbm>>) dst(%arg10 : memref<2x128xi32, #tpu.memory_space<vmem>>)
        %dma_start3A_72 = arith.constant 0 : i32
        %dma_start3A_73 = arith.constant 0 : i32
        %dma_start3A_74 = tpu.memref_slice %arg10[%dma_start3A_72, %dma_start3A_73] : memref<2x128xi32, #tpu.memory_space<vmem>> -> memref<1x128xi32, #tpu.memory_space<vmem>>
        %dma_start3A_75 = tpu.memref_squeeze %dma_start3A_74 : memref<1x128xi32, #tpu.memory_space<vmem>> -> memref<128xi32, #tpu.memory_space<vmem>>
        %dma_start3A_76 = arith.constant 0 : i32
        %dma_start3A_77 = arith.constant 0 : i32
        %dma_start3A_78 = tpu.memref_slice %arg3[%dma_start3A_76, %dma_start3A_77] : memref<64x144xf32, #tpu.memory_space<hbm>> -> memref<64x144xf32, #tpu.memory_space<hbm>>
        tpu.enqueue_indirect_dma source(%dma_start3A_78 : memref<64x144xf32, #tpu.memory_space<hbm>>) target(%arg12 : memref<128x144xf32, #tpu.memory_space<vmem>>) offsets(%dma_start3A_75 : memref<128xi32, #tpu.memory_space<vmem>>) semaphore(%arg15 : memref<!tpu.dma_semaphore, #tpu.memory_space<semaphore_mem>>)
        %dma_wait3A_79 = arith.constant 0 : i32
        %dma_wait3A_80 = arith.constant 0 : i32
        %dma_wait3A_81 = tpu.memref_slice %arg9[%dma_wait3A_79, %dma_wait3A_80] : memref<2x128xi32, #tpu.memory_space<vmem>> -> memref<1x128xi32, #tpu.memory_space<vmem>>
        %dma_wait3A_82 = tpu.memref_squeeze %dma_wait3A_81 : memref<1x128xi32, #tpu.memory_space<vmem>> -> memref<128xi32, #tpu.memory_space<vmem>>
        %dma_wait3A_83 = arith.constant 0 : i32
        %dma_wait3A_84 = arith.constant 0 : i32
        %dma_wait3A_85 = tpu.memref_slice %arg3[%dma_wait3A_83, %dma_wait3A_84] : memref<64x144xf32, #tpu.memory_space<hbm>> -> memref<64x144xf32, #tpu.memory_space<hbm>>
        tpu.wait_indirect_dma semaphore(%arg14 : memref<!tpu.dma_semaphore, #tpu.memory_space<semaphore_mem>>) src(%dma_wait3A_85 : memref<64x144xf32, #tpu.memory_space<hbm>>) dst(%arg11 : memref<128x144xf32, #tpu.memory_space<vmem>>)
        %run_scoped3A_86 = arith.constant 1 : i32
        "tpu.region"() ({
          %run_scoped3A_108 = tpu.sem_alloc : memref<!tpu.dma_semaphore, #tpu.memory_space<semaphore_mem>>
          %dma_start3A_109 = arith.constant 0 : i32
          %dma_start3A_110 = tpu.memref_slice %arg9[%run_scoped3A_86, %dma_start3A_109] : memref<2x128xi32, #tpu.memory_space<vmem>> -> memref<1x128xi32, #tpu.memory_space<vmem>>
          %dma_start3A_111 = tpu.memref_squeeze %dma_start3A_110 : memref<1x128xi32, #tpu.memory_space<vmem>> -> memref<128xi32, #tpu.memory_space<vmem>>
          %dma_start3A_112 = arith.constant 0 : i32
          %dma_start3A_113 = arith.constant 0 : i32
          %dma_start3A_114 = tpu.memref_slice %arg13[%dma_start3A_112, %dma_start3A_113] : memref<10112x144xf32, #tpu.memory_space<vmem_shared>> -> memref<10112x144xf32, #tpu.memory_space<vmem_shared>>
          tpu.enqueue_indirect_dma source(%arg11 : memref<128x144xf32, #tpu.memory_space<vmem>>) target(%dma_start3A_114 : memref<10112x144xf32, #tpu.memory_space<vmem_shared>>) offsets(%dma_start3A_111 : memref<128xi32, #tpu.memory_space<vmem>>) semaphore(%run_scoped3A_108 : memref<!tpu.dma_semaphore, #tpu.memory_space<semaphore_mem>>) {add = true}
          %dma_wait3A_115 = arith.constant 0 : i32
          %dma_wait3A_116 = tpu.memref_slice %arg9[%run_scoped3A_86, %dma_wait3A_115] : memref<2x128xi32, #tpu.memory_space<vmem>> -> memref<1x128xi32, #tpu.memory_space<vmem>>
          %dma_wait3A_117 = tpu.memref_squeeze %dma_wait3A_116 : memref<1x128xi32, #tpu.memory_space<vmem>> -> memref<128xi32, #tpu.memory_space<vmem>>
          %dma_wait3A_118 = arith.constant 0 : i32
          %dma_wait3A_119 = arith.constant 0 : i32
          %dma_wait3A_120 = tpu.memref_slice %arg13[%dma_wait3A_118, %dma_wait3A_119] : memref<10112x144xf32, #tpu.memory_space<vmem_shared>> -> memref<10112x144xf32, #tpu.memory_space<vmem_shared>>
          tpu.wait_indirect_dma semaphore(%run_scoped3A_108 : memref<!tpu.dma_semaphore, #tpu.memory_space<semaphore_mem>>) src(%arg11 : memref<128x144xf32, #tpu.memory_space<vmem>>) dst(%dma_wait3A_120 : memref<10112x144xf32, #tpu.memory_space<vmem_shared>>)
          tpu.yield
        }) : () -> ()
        %add3A_87 = arith.constant 2 : i32
        %add3A_88 = arith.addi %add3A_61, %add3A_87 : i32
        %lt3A = arith.constant 6 : i32
        %lt3A_89 = arith.cmpi slt, %add3A_88, %lt3A : i32
        %convert_element_type3A_90 = arith.extui %lt3A_89 : i1 to i32
        %cond3A_91 = arith.constant 0 : i32
        %cond3A_92 = arith.cmpi ne, %convert_element_type3A_90, %cond3A_91 : i32
        scf.if %cond3A_92 {
          %add3A_108 = arith.addi %mul3A_31, %add3A_61 : i32
          %add3A_109 = arith.constant 2 : i32
          %add3A_110 = arith.addi %add3A_108, %add3A_109 : i32
          "tpu.region"() ({
            %run_scoped3A_118 = tpu.sem_alloc : memref<!tpu.dma_semaphore, #tpu.memory_space<semaphore_mem>>
            %dma_start3A_119 = arith.constant 0 : i32
            %dma_start3A_120 = arith.constant 0 : i32
            %dma_start3A_121 = tpu.memref_slice %arg5[%add3A_110, %dma_start3A_119, %dma_start3A_120] : memref<96x2x128xi32, #tpu.memory_space<hbm>> -> memref<1x2x128xi32, #tpu.memory_space<hbm>>
            %dma_start3A_122 = tpu.memref_squeeze %dma_start3A_121 : memref<1x2x128xi32, #tpu.memory_space<hbm>> -> memref<2x128xi32, #tpu.memory_space<hbm>>
            %dma_start3A_123 = arith.constant 0 : i32
            %dma_start3A_124 = arith.constant 0 : i32
            %dma_start3A_125 = tpu.memref_slice %arg5[%add3A_110, %dma_start3A_123, %dma_start3A_124] : memref<96x2x128xi32, #tpu.memory_space<hbm>> -> memref<1x2x128xi32, #tpu.memory_space<hbm>>
            %dma_start3A_126 = tpu.memref_squeeze %dma_start3A_125 : memref<1x2x128xi32, #tpu.memory_space<hbm>> -> memref<2x128xi32, #tpu.memory_space<hbm>>
            tpu.enqueue_dma source(%dma_start3A_126 : memref<2x128xi32, #tpu.memory_space<hbm>>) target(%arg9 : memref<2x128xi32, #tpu.memory_space<vmem>>) target_semaphore(%run_scoped3A_118 : memref<!tpu.dma_semaphore, #tpu.memory_space<semaphore_mem>>)
            %dma_wait3A_127 = arith.constant 0 : i32
            %dma_wait3A_128 = arith.constant 0 : i32
            %dma_wait3A_129 = tpu.memref_slice %arg5[%add3A_110, %dma_wait3A_127, %dma_wait3A_128] : memref<96x2x128xi32, #tpu.memory_space<hbm>> -> memref<1x2x128xi32, #tpu.memory_space<hbm>>
            %dma_wait3A_130 = tpu.memref_squeeze %dma_wait3A_129 : memref<1x2x128xi32, #tpu.memory_space<hbm>> -> memref<2x128xi32, #tpu.memory_space<hbm>>
            %dma_wait3A_131 = arith.constant 0 : i32
            %dma_wait3A_132 = arith.constant 0 : i32
            %dma_wait3A_133 = tpu.memref_slice %arg5[%add3A_110, %dma_wait3A_131, %dma_wait3A_132] : memref<96x2x128xi32, #tpu.memory_space<hbm>> -> memref<1x2x128xi32, #tpu.memory_space<hbm>>
            %dma_wait3A_134 = tpu.memref_squeeze %dma_wait3A_133 : memref<1x2x128xi32, #tpu.memory_space<hbm>> -> memref<2x128xi32, #tpu.memory_space<hbm>>
            tpu.wait_dma2 semaphore(%run_scoped3A_118 : memref<!tpu.dma_semaphore, #tpu.memory_space<semaphore_mem>>) src(%dma_wait3A_134 : memref<2x128xi32, #tpu.memory_space<hbm>>) dst(%arg9 : memref<2x128xi32, #tpu.memory_space<vmem>>)
            tpu.yield
          }) : () -> ()
          %dma_start3A_111 = arith.constant 0 : i32
          %dma_start3A_112 = arith.constant 0 : i32
          %dma_start3A_113 = tpu.memref_slice %arg9[%dma_start3A_111, %dma_start3A_112] : memref<2x128xi32, #tpu.memory_space<vmem>> -> memref<1x128xi32, #tpu.memory_space<vmem>>
          %dma_start3A_114 = tpu.memref_squeeze %dma_start3A_113 : memref<1x128xi32, #tpu.memory_space<vmem>> -> memref<128xi32, #tpu.memory_space<vmem>>
          %dma_start3A_115 = arith.constant 0 : i32
          %dma_start3A_116 = arith.constant 0 : i32
          %dma_start3A_117 = tpu.memref_slice %arg3[%dma_start3A_115, %dma_start3A_116] : memref<64x144xf32, #tpu.memory_space<hbm>> -> memref<64x144xf32, #tpu.memory_space<hbm>>
          tpu.enqueue_indirect_dma source(%dma_start3A_117 : memref<64x144xf32, #tpu.memory_space<hbm>>) target(%arg11 : memref<128x144xf32, #tpu.memory_space<vmem>>) offsets(%dma_start3A_114 : memref<128xi32, #tpu.memory_space<vmem>>) semaphore(%arg14 : memref<!tpu.dma_semaphore, #tpu.memory_space<semaphore_mem>>)
        } else {
        }
        %dma_wait3A_93 = arith.constant 0 : i32
        %dma_wait3A_94 = arith.constant 0 : i32
        %dma_wait3A_95 = tpu.memref_slice %arg10[%dma_wait3A_93, %dma_wait3A_94] : memref<2x128xi32, #tpu.memory_space<vmem>> -> memref<1x128xi32, #tpu.memory_space<vmem>>
        %dma_wait3A_96 = tpu.memref_squeeze %dma_wait3A_95 : memref<1x128xi32, #tpu.memory_space<vmem>> -> memref<128xi32, #tpu.memory_space<vmem>>
        %dma_wait3A_97 = arith.constant 0 : i32
        %dma_wait3A_98 = arith.constant 0 : i32
        %dma_wait3A_99 = tpu.memref_slice %arg3[%dma_wait3A_97, %dma_wait3A_98] : memref<64x144xf32, #tpu.memory_space<hbm>> -> memref<64x144xf32, #tpu.memory_space<hbm>>
        tpu.wait_indirect_dma semaphore(%arg15 : memref<!tpu.dma_semaphore, #tpu.memory_space<semaphore_mem>>) src(%dma_wait3A_99 : memref<64x144xf32, #tpu.memory_space<hbm>>) dst(%arg12 : memref<128x144xf32, #tpu.memory_space<vmem>>)
        %run_scoped3A_100 = arith.constant 1 : i32
        "tpu.region"() ({
          %run_scoped3A_108 = tpu.sem_alloc : memref<!tpu.dma_semaphore, #tpu.memory_space<semaphore_mem>>
          %dma_start3A_109 = arith.constant 0 : i32
          %dma_start3A_110 = tpu.memref_slice %arg10[%run_scoped3A_100, %dma_start3A_109] : memref<2x128xi32, #tpu.memory_space<vmem>> -> memref<1x128xi32, #tpu.memory_space<vmem>>
          %dma_start3A_111 = tpu.memref_squeeze %dma_start3A_110 : memref<1x128xi32, #tpu.memory_space<vmem>> -> memref<128xi32, #tpu.memory_space<vmem>>
          %dma_start3A_112 = arith.constant 0 : i32
          %dma_start3A_113 = arith.constant 0 : i32
          %dma_start3A_114 = tpu.memref_slice %arg13[%dma_start3A_112, %dma_start3A_113] : memref<10112x144xf32, #tpu.memory_space<vmem_shared>> -> memref<10112x144xf32, #tpu.memory_space<vmem_shared>>
          tpu.enqueue_indirect_dma source(%arg12 : memref<128x144xf32, #tpu.memory_space<vmem>>) target(%dma_start3A_114 : memref<10112x144xf32, #tpu.memory_space<vmem_shared>>) offsets(%dma_start3A_111 : memref<128xi32, #tpu.memory_space<vmem>>) semaphore(%run_scoped3A_108 : memref<!tpu.dma_semaphore, #tpu.memory_space<semaphore_mem>>) {add = true}
          %dma_wait3A_115 = arith.constant 0 : i32
          %dma_wait3A_116 = tpu.memref_slice %arg10[%run_scoped3A_100, %dma_wait3A_115] : memref<2x128xi32, #tpu.memory_space<vmem>> -> memref<1x128xi32, #tpu.memory_space<vmem>>
          %dma_wait3A_117 = tpu.memref_squeeze %dma_wait3A_116 : memref<1x128xi32, #tpu.memory_space<vmem>> -> memref<128xi32, #tpu.memory_space<vmem>>
          %dma_wait3A_118 = arith.constant 0 : i32
          %dma_wait3A_119 = arith.constant 0 : i32
          %dma_wait3A_120 = tpu.memref_slice %arg13[%dma_wait3A_118, %dma_wait3A_119] : memref<10112x144xf32, #tpu.memory_space<vmem_shared>> -> memref<10112x144xf32, #tpu.memory_space<vmem_shared>>
          tpu.wait_indirect_dma semaphore(%run_scoped3A_108 : memref<!tpu.dma_semaphore, #tpu.memory_space<semaphore_mem>>) src(%arg12 : memref<128x144xf32, #tpu.memory_space<vmem>>) dst(%dma_wait3A_120 : memref<10112x144xf32, #tpu.memory_space<vmem_shared>>)
          tpu.yield
        }) : () -> ()
        %add3A_101 = arith.constant 3 : i32
        %add3A_102 = arith.addi %add3A_61, %add3A_101 : i32
        %lt3A_103 = arith.constant 6 : i32
        %lt3A_104 = arith.cmpi slt, %add3A_102, %lt3A_103 : i32
        %convert_element_type3A_105 = arith.extui %lt3A_104 : i1 to i32
        %cond3A_106 = arith.constant 0 : i32
        %cond3A_107 = arith.cmpi ne, %convert_element_type3A_105, %cond3A_106 : i32
        scf.if %cond3A_107 {
          %add3A_108 = arith.addi %mul3A_31, %add3A_61 : i32
          %add3A_109 = arith.constant 3 : i32
          %add3A_110 = arith.addi %add3A_108, %add3A_109 : i32
          %dma_start3A_111 = arith.constant 0 : i32
          %dma_start3A_112 = arith.constant 0 : i32
          %dma_start3A_113 = tpu.memref_slice %arg5[%add3A_110, %dma_start3A_111, %dma_start3A_112] : memref<96x2x128xi32, #tpu.memory_space<hbm>> -> memref<1x2x128xi32, #tpu.memory_space<hbm>>
          %dma_start3A_114 = tpu.memref_squeeze %dma_start3A_113 : memref<1x2x128xi32, #tpu.memory_space<hbm>> -> memref<2x128xi32, #tpu.memory_space<hbm>>
          %dma_start3A_115 = arith.constant 0 : i32
          %dma_start3A_116 = arith.constant 0 : i32
          %dma_start3A_117 = tpu.memref_slice %arg5[%add3A_110, %dma_start3A_115, %dma_start3A_116] : memref<96x2x128xi32, #tpu.memory_space<hbm>> -> memref<1x2x128xi32, #tpu.memory_space<hbm>>
          %dma_start3A_118 = tpu.memref_squeeze %dma_start3A_117 : memref<1x2x128xi32, #tpu.memory_space<hbm>> -> memref<2x128xi32, #tpu.memory_space<hbm>>
          tpu.enqueue_dma source(%dma_start3A_118 : memref<2x128xi32, #tpu.memory_space<hbm>>) target(%arg10 : memref<2x128xi32, #tpu.memory_space<vmem>>) target_semaphore(%arg16 : memref<!tpu.dma_semaphore, #tpu.memory_space<semaphore_mem>>)
        } else {
        }
      }
      %scan3A_54 = arith.constant 3 : i32
      %barrier3A_55 = arith.constant 0 : index
      tpu.barrier barrier_id(%barrier3A_55)
      %run_scoped3A_56 = arith.constant 0 : i32
      "tpu.region"() ({
        %run_scoped3A_57 = tpu.sem_alloc : memref<!tpu.dma_semaphore, #tpu.memory_space<semaphore_mem>>
        %dma_start3A_58 = arith.constant 0 : i32
        %dma_start3A_59 = arith.constant 0 : i32
        %dma_start3A_60 = tpu.memref_slice %arg8[%run_scoped3A_56, %dma_start3A_58, %dma_start3A_59] : memref<1x10112x144xf32, #tpu.memory_space<hbm>> -> memref<1x10112x144xf32, #tpu.memory_space<hbm>>
        %dma_start3A_61 = tpu.memref_squeeze %dma_start3A_60 : memref<1x10112x144xf32, #tpu.memory_space<hbm>> -> memref<10112x144xf32, #tpu.memory_space<hbm>>
        %dma_start3A_62 = arith.constant 0 : i32
        %dma_start3A_63 = tpu.memref_slice %dma_start3A_61[%mul3A_0, %dma_start3A_62] : memref<10112x144xf32, #tpu.memory_space<hbm>> -> memref<632x144xf32, #tpu.memory_space<hbm>>
        %dma_start3A_64 = arith.constant 0 : i32
        %dma_start3A_65 = tpu.memref_slice %arg13[%mul3A_0, %dma_start3A_64] : memref<10112x144xf32, #tpu.memory_space<vmem_shared>> -> memref<632x144xf32, #tpu.memory_space<vmem_shared>>
        tpu.enqueue_dma source(%dma_start3A_65 : memref<632x144xf32, #tpu.memory_space<vmem_shared>>) target(%dma_start3A_63 : memref<632x144xf32, #tpu.memory_space<hbm>>) target_semaphore(%run_scoped3A_57 : memref<!tpu.dma_semaphore, #tpu.memory_space<semaphore_mem>>)
        %dma_wait3A = arith.constant 0 : i32
        %dma_wait3A_66 = arith.constant 0 : i32
        %dma_wait3A_67 = tpu.memref_slice %arg8[%run_scoped3A_56, %dma_wait3A, %dma_wait3A_66] : memref<1x10112x144xf32, #tpu.memory_space<hbm>> -> memref<1x10112x144xf32, #tpu.memory_space<hbm>>
        %dma_wait3A_68 = tpu.memref_squeeze %dma_wait3A_67 : memref<1x10112x144xf32, #tpu.memory_space<hbm>> -> memref<10112x144xf32, #tpu.memory_space<hbm>>
        %dma_wait3A_69 = arith.constant 0 : i32
        %dma_wait3A_70 = tpu.memref_slice %dma_wait3A_68[%mul3A_0, %dma_wait3A_69] : memref<10112x144xf32, #tpu.memory_space<hbm>> -> memref<632x144xf32, #tpu.memory_space<hbm>>
        %dma_wait3A_71 = arith.constant 0 : i32
        %dma_wait3A_72 = tpu.memref_slice %arg13[%mul3A_0, %dma_wait3A_71] : memref<10112x144xf32, #tpu.memory_space<vmem_shared>> -> memref<632x144xf32, #tpu.memory_space<vmem_shared>>
        tpu.wait_dma2 semaphore(%run_scoped3A_57 : memref<!tpu.dma_semaphore, #tpu.memory_space<semaphore_mem>>) src(%dma_wait3A_72 : memref<632x144xf32, #tpu.memory_space<vmem_shared>>) dst(%dma_wait3A_70 : memref<632x144xf32, #tpu.memory_space<hbm>>)
        tpu.yield
      }) : () -> ()
    } else {
    }
    %eq3A_3 = arith.constant 1 : i32
    %eq3A_4 = arith.cmpi eq, %arg0, %eq3A_3 : i32
    %convert_element_type3A_5 = arith.extui %eq3A_4 : i1 to i32
    %cond3A_6 = arith.constant 0 : i32
    %cond3A_7 = arith.cmpi ne, %convert_element_type3A_5, %cond3A_6 : i32
    scf.if %cond3A_7 {
      %mul3A_8 = arith.constant 56 : i32
      %mul3A_9 = arith.muli %arg1, %mul3A_8 : i32
      %add3A = arith.constant 1632 : i32
      %add3A_10 = arith.addi %add3A, %mul3A_9 : i32
      "tpu.region"() ({
        %run_scoped3A_32 = tpu.sem_alloc : memref<!tpu.dma_semaphore, #tpu.memory_space<semaphore_mem>>
        %dma_start3A_33 = arith.constant 0 : i32
        %dma_start3A_34 = tpu.memref_slice %arg13[%mul3A_0, %dma_start3A_33] : memref<10112x144xf32, #tpu.memory_space<vmem_shared>> -> memref<632x144xf32, #tpu.memory_space<vmem_shared>>
        %dma_start3A_35 = arith.constant 0 : i32
        %dma_start3A_36 = tpu.memref_slice %arg6[%mul3A_0, %dma_start3A_35] : memref<10112x144xf32, #tpu.memory_space<hbm>> -> memref<632x144xf32, #tpu.memory_space<hbm>>
        tpu.enqueue_dma source(%dma_start3A_36 : memref<632x144xf32, #tpu.memory_space<hbm>>) target(%dma_start3A_34 : memref<632x144xf32, #tpu.memory_space<vmem_shared>>) target_semaphore(%run_scoped3A_32 : memref<!tpu.dma_semaphore, #tpu.memory_space<semaphore_mem>>)
        %dma_wait3A = arith.constant 0 : i32
        %dma_wait3A_37 = tpu.memref_slice %arg13[%mul3A_0, %dma_wait3A] : memref<10112x144xf32, #tpu.memory_space<vmem_shared>> -> memref<632x144xf32, #tpu.memory_space<vmem_shared>>
        %dma_wait3A_38 = arith.constant 0 : i32
        %dma_wait3A_39 = tpu.memref_slice %arg6[%mul3A_0, %dma_wait3A_38] : memref<10112x144xf32, #tpu.memory_space<hbm>> -> memref<632x144xf32, #tpu.memory_space<hbm>>
        tpu.wait_dma2 semaphore(%run_scoped3A_32 : memref<!tpu.dma_semaphore, #tpu.memory_space<semaphore_mem>>) src(%dma_wait3A_39 : memref<632x144xf32, #tpu.memory_space<hbm>>) dst(%dma_wait3A_37 : memref<632x144xf32, #tpu.memory_space<vmem_shared>>)
        tpu.yield
      }) : () -> ()
      %barrier3A = arith.constant 0 : index
      tpu.barrier barrier_id(%barrier3A)
      "tpu.region"() ({
        %run_scoped3A_32 = tpu.sem_alloc : memref<!tpu.dma_semaphore, #tpu.memory_space<semaphore_mem>>
        %dma_start3A_33 = arith.constant 0 : i32
        %dma_start3A_34 = arith.constant 0 : i32
        %dma_start3A_35 = tpu.memref_slice %arg4[%add3A_10, %dma_start3A_33, %dma_start3A_34] : memref<2528x2x128xi32, #tpu.memory_space<hbm>> -> memref<1x2x128xi32, #tpu.memory_space<hbm>>
        %dma_start3A_36 = tpu.memref_squeeze %dma_start3A_35 : memref<1x2x128xi32, #tpu.memory_space<hbm>> -> memref<2x128xi32, #tpu.memory_space<hbm>>
        %dma_start3A_37 = arith.constant 0 : i32
        %dma_start3A_38 = arith.constant 0 : i32
        %dma_start3A_39 = tpu.memref_slice %arg4[%add3A_10, %dma_start3A_37, %dma_start3A_38] : memref<2528x2x128xi32, #tpu.memory_space<hbm>> -> memref<1x2x128xi32, #tpu.memory_space<hbm>>
        %dma_start3A_40 = tpu.memref_squeeze %dma_start3A_39 : memref<1x2x128xi32, #tpu.memory_space<hbm>> -> memref<2x128xi32, #tpu.memory_space<hbm>>
        tpu.enqueue_dma source(%dma_start3A_40 : memref<2x128xi32, #tpu.memory_space<hbm>>) target(%arg9 : memref<2x128xi32, #tpu.memory_space<vmem>>) target_semaphore(%run_scoped3A_32 : memref<!tpu.dma_semaphore, #tpu.memory_space<semaphore_mem>>)
        %dma_wait3A = arith.constant 0 : i32
        %dma_wait3A_41 = arith.constant 0 : i32
        %dma_wait3A_42 = tpu.memref_slice %arg4[%add3A_10, %dma_wait3A, %dma_wait3A_41] : memref<2528x2x128xi32, #tpu.memory_space<hbm>> -> memref<1x2x128xi32, #tpu.memory_space<hbm>>
        %dma_wait3A_43 = tpu.memref_squeeze %dma_wait3A_42 : memref<1x2x128xi32, #tpu.memory_space<hbm>> -> memref<2x128xi32, #tpu.memory_space<hbm>>
        %dma_wait3A_44 = arith.constant 0 : i32
        %dma_wait3A_45 = arith.constant 0 : i32
        %dma_wait3A_46 = tpu.memref_slice %arg4[%add3A_10, %dma_wait3A_44, %dma_wait3A_45] : memref<2528x2x128xi32, #tpu.memory_space<hbm>> -> memref<1x2x128xi32, #tpu.memory_space<hbm>>
        %dma_wait3A_47 = tpu.memref_squeeze %dma_wait3A_46 : memref<1x2x128xi32, #tpu.memory_space<hbm>> -> memref<2x128xi32, #tpu.memory_space<hbm>>
        tpu.wait_dma2 semaphore(%run_scoped3A_32 : memref<!tpu.dma_semaphore, #tpu.memory_space<semaphore_mem>>) src(%dma_wait3A_47 : memref<2x128xi32, #tpu.memory_space<hbm>>) dst(%arg9 : memref<2x128xi32, #tpu.memory_space<vmem>>)
        tpu.yield
      }) : () -> ()
      %dma_start3A = arith.constant 0 : i32
      %dma_start3A_11 = arith.constant 0 : i32
      %dma_start3A_12 = tpu.memref_slice %arg9[%dma_start3A, %dma_start3A_11] : memref<2x128xi32, #tpu.memory_space<vmem>> -> memref<1x128xi32, #tpu.memory_space<vmem>>
      %dma_start3A_13 = tpu.memref_squeeze %dma_start3A_12 : memref<1x128xi32, #tpu.memory_space<vmem>> -> memref<128xi32, #tpu.memory_space<vmem>>
      %dma_start3A_14 = arith.constant 0 : i32
      %dma_start3A_15 = arith.constant 0 : i32
      %dma_start3A_16 = tpu.memref_slice %arg2[%dma_start3A_14, %dma_start3A_15] : memref<10000x144xf32, #tpu.memory_space<hbm>> -> memref<10000x144xf32, #tpu.memory_space<hbm>>
      tpu.enqueue_indirect_dma source(%dma_start3A_16 : memref<10000x144xf32, #tpu.memory_space<hbm>>) target(%arg11 : memref<128x144xf32, #tpu.memory_space<vmem>>) offsets(%dma_start3A_13 : memref<128xi32, #tpu.memory_space<vmem>>) semaphore(%arg14 : memref<!tpu.dma_semaphore, #tpu.memory_space<semaphore_mem>>)
      %add3A_17 = arith.constant 1 : i32
      %add3A_18 = arith.addi %add3A_10, %add3A_17 : i32
      %dma_start3A_19 = arith.constant 0 : i32
      %dma_start3A_20 = arith.constant 0 : i32
      %dma_start3A_21 = tpu.memref_slice %arg4[%add3A_18, %dma_start3A_19, %dma_start3A_20] : memref<2528x2x128xi32, #tpu.memory_space<hbm>> -> memref<1x2x128xi32, #tpu.memory_space<hbm>>
      %dma_start3A_22 = tpu.memref_squeeze %dma_start3A_21 : memref<1x2x128xi32, #tpu.memory_space<hbm>> -> memref<2x128xi32, #tpu.memory_space<hbm>>
      %dma_start3A_23 = arith.constant 0 : i32
      %dma_start3A_24 = arith.constant 0 : i32
      %dma_start3A_25 = tpu.memref_slice %arg4[%add3A_18, %dma_start3A_23, %dma_start3A_24] : memref<2528x2x128xi32, #tpu.memory_space<hbm>> -> memref<1x2x128xi32, #tpu.memory_space<hbm>>
      %dma_start3A_26 = tpu.memref_squeeze %dma_start3A_25 : memref<1x2x128xi32, #tpu.memory_space<hbm>> -> memref<2x128xi32, #tpu.memory_space<hbm>>
      tpu.enqueue_dma source(%dma_start3A_26 : memref<2x128xi32, #tpu.memory_space<hbm>>) target(%arg10 : memref<2x128xi32, #tpu.memory_space<vmem>>) target_semaphore(%arg16 : memref<!tpu.dma_semaphore, #tpu.memory_space<semaphore_mem>>)
      %scan3A = arith.constant 0 : i32
      %scan3A_27 = arith.constant 28 : i32
      %scan3A_28 = arith.addi %scan3A, %scan3A_27 : i32
      %scan3A_29 = arith.constant 1 : i32
      scf.for %scan3A_32 = %scan3A to %scan3A_28 step %scan3A_29  : i32 {
        %mul3A_33 = arith.constant 2 : i32
        %mul3A_34 = arith.muli %scan3A_32, %mul3A_33 : i32
        %add3A_35 = arith.constant 0 : i32
        %add3A_36 = arith.addi %add3A_35, %mul3A_34 : i32
        %add3A_37 = arith.addi %add3A_10, %add3A_36 : i32
        %add3A_38 = arith.constant 1 : i32
        %add3A_39 = arith.addi %add3A_37, %add3A_38 : i32
        %dma_wait3A = arith.constant 0 : i32
        %dma_wait3A_40 = arith.constant 0 : i32
        %dma_wait3A_41 = tpu.memref_slice %arg4[%add3A_39, %dma_wait3A, %dma_wait3A_40] : memref<2528x2x128xi32, #tpu.memory_space<hbm>> -> memref<1x2x128xi32, #tpu.memory_space<hbm>>
        %dma_wait3A_42 = tpu.memref_squeeze %dma_wait3A_41 : memref<1x2x128xi32, #tpu.memory_space<hbm>> -> memref<2x128xi32, #tpu.memory_space<hbm>>
        %dma_wait3A_43 = arith.constant 0 : i32
        %dma_wait3A_44 = arith.constant 0 : i32
        %dma_wait3A_45 = tpu.memref_slice %arg4[%add3A_39, %dma_wait3A_43, %dma_wait3A_44] : memref<2528x2x128xi32, #tpu.memory_space<hbm>> -> memref<1x2x128xi32, #tpu.memory_space<hbm>>
        %dma_wait3A_46 = tpu.memref_squeeze %dma_wait3A_45 : memref<1x2x128xi32, #tpu.memory_space<hbm>> -> memref<2x128xi32, #tpu.memory_space<hbm>>
        tpu.wait_dma2 semaphore(%arg16 : memref<!tpu.dma_semaphore, #tpu.memory_space<semaphore_mem>>) src(%dma_wait3A_46 : memref<2x128xi32, #tpu.memory_space<hbm>>) dst(%arg10 : memref<2x128xi32, #tpu.memory_space<vmem>>)
        %dma_start3A_47 = arith.constant 0 : i32
        %dma_start3A_48 = arith.constant 0 : i32
        %dma_start3A_49 = tpu.memref_slice %arg10[%dma_start3A_47, %dma_start3A_48] : memref<2x128xi32, #tpu.memory_space<vmem>> -> memref<1x128xi32, #tpu.memory_space<vmem>>
        %dma_start3A_50 = tpu.memref_squeeze %dma_start3A_49 : memref<1x128xi32, #tpu.memory_space<vmem>> -> memref<128xi32, #tpu.memory_space<vmem>>
        %dma_start3A_51 = arith.constant 0 : i32
        %dma_start3A_52 = arith.constant 0 : i32
        %dma_start3A_53 = tpu.memref_slice %arg2[%dma_start3A_51, %dma_start3A_52] : memref<10000x144xf32, #tpu.memory_space<hbm>> -> memref<10000x144xf32, #tpu.memory_space<hbm>>
        tpu.enqueue_indirect_dma source(%dma_start3A_53 : memref<10000x144xf32, #tpu.memory_space<hbm>>) target(%arg12 : memref<128x144xf32, #tpu.memory_space<vmem>>) offsets(%dma_start3A_50 : memref<128xi32, #tpu.memory_space<vmem>>) semaphore(%arg15 : memref<!tpu.dma_semaphore, #tpu.memory_space<semaphore_mem>>)
        %dma_wait3A_54 = arith.constant 0 : i32
        %dma_wait3A_55 = arith.constant 0 : i32
        %dma_wait3A_56 = tpu.memref_slice %arg9[%dma_wait3A_54, %dma_wait3A_55] : memref<2x128xi32, #tpu.memory_space<vmem>> -> memref<1x128xi32, #tpu.memory_space<vmem>>
        %dma_wait3A_57 = tpu.memref_squeeze %dma_wait3A_56 : memref<1x128xi32, #tpu.memory_space<vmem>> -> memref<128xi32, #tpu.memory_space<vmem>>
        %dma_wait3A_58 = arith.constant 0 : i32
        %dma_wait3A_59 = arith.constant 0 : i32
        %dma_wait3A_60 = tpu.memref_slice %arg2[%dma_wait3A_58, %dma_wait3A_59] : memref<10000x144xf32, #tpu.memory_space<hbm>> -> memref<10000x144xf32, #tpu.memory_space<hbm>>
        tpu.wait_indirect_dma semaphore(%arg14 : memref<!tpu.dma_semaphore, #tpu.memory_space<semaphore_mem>>) src(%dma_wait3A_60 : memref<10000x144xf32, #tpu.memory_space<hbm>>) dst(%arg11 : memref<128x144xf32, #tpu.memory_space<vmem>>)
        %run_scoped3A_61 = arith.constant 1 : i32
        "tpu.region"() ({
          %run_scoped3A_83 = tpu.sem_alloc : memref<!tpu.dma_semaphore, #tpu.memory_space<semaphore_mem>>
          %dma_start3A_84 = arith.constant 0 : i32
          %dma_start3A_85 = tpu.memref_slice %arg9[%run_scoped3A_61, %dma_start3A_84] : memref<2x128xi32, #tpu.memory_space<vmem>> -> memref<1x128xi32, #tpu.memory_space<vmem>>
          %dma_start3A_86 = tpu.memref_squeeze %dma_start3A_85 : memref<1x128xi32, #tpu.memory_space<vmem>> -> memref<128xi32, #tpu.memory_space<vmem>>
          %dma_start3A_87 = arith.constant 0 : i32
          %dma_start3A_88 = arith.constant 0 : i32
          %dma_start3A_89 = tpu.memref_slice %arg13[%dma_start3A_87, %dma_start3A_88] : memref<10112x144xf32, #tpu.memory_space<vmem_shared>> -> memref<10112x144xf32, #tpu.memory_space<vmem_shared>>
          tpu.enqueue_indirect_dma source(%arg11 : memref<128x144xf32, #tpu.memory_space<vmem>>) target(%dma_start3A_89 : memref<10112x144xf32, #tpu.memory_space<vmem_shared>>) offsets(%dma_start3A_86 : memref<128xi32, #tpu.memory_space<vmem>>) semaphore(%run_scoped3A_83 : memref<!tpu.dma_semaphore, #tpu.memory_space<semaphore_mem>>) {add = true}
          %dma_wait3A_90 = arith.constant 0 : i32
          %dma_wait3A_91 = tpu.memref_slice %arg9[%run_scoped3A_61, %dma_wait3A_90] : memref<2x128xi32, #tpu.memory_space<vmem>> -> memref<1x128xi32, #tpu.memory_space<vmem>>
          %dma_wait3A_92 = tpu.memref_squeeze %dma_wait3A_91 : memref<1x128xi32, #tpu.memory_space<vmem>> -> memref<128xi32, #tpu.memory_space<vmem>>
          %dma_wait3A_93 = arith.constant 0 : i32
          %dma_wait3A_94 = arith.constant 0 : i32
          %dma_wait3A_95 = tpu.memref_slice %arg13[%dma_wait3A_93, %dma_wait3A_94] : memref<10112x144xf32, #tpu.memory_space<vmem_shared>> -> memref<10112x144xf32, #tpu.memory_space<vmem_shared>>
          tpu.wait_indirect_dma semaphore(%run_scoped3A_83 : memref<!tpu.dma_semaphore, #tpu.memory_space<semaphore_mem>>) src(%arg11 : memref<128x144xf32, #tpu.memory_space<vmem>>) dst(%dma_wait3A_95 : memref<10112x144xf32, #tpu.memory_space<vmem_shared>>)
          tpu.yield
        }) : () -> ()
        %add3A_62 = arith.constant 2 : i32
        %add3A_63 = arith.addi %add3A_36, %add3A_62 : i32
        %lt3A = arith.constant 56 : i32
        %lt3A_64 = arith.cmpi slt, %add3A_63, %lt3A : i32
        %convert_element_type3A_65 = arith.extui %lt3A_64 : i1 to i32
        %cond3A_66 = arith.constant 0 : i32
        %cond3A_67 = arith.cmpi ne, %convert_element_type3A_65, %cond3A_66 : i32
        scf.if %cond3A_67 {
          %add3A_83 = arith.addi %add3A_10, %add3A_36 : i32
          %add3A_84 = arith.constant 2 : i32
          %add3A_85 = arith.addi %add3A_83, %add3A_84 : i32
          "tpu.region"() ({
            %run_scoped3A_93 = tpu.sem_alloc : memref<!tpu.dma_semaphore, #tpu.memory_space<semaphore_mem>>
            %dma_start3A_94 = arith.constant 0 : i32
            %dma_start3A_95 = arith.constant 0 : i32
            %dma_start3A_96 = tpu.memref_slice %arg4[%add3A_85, %dma_start3A_94, %dma_start3A_95] : memref<2528x2x128xi32, #tpu.memory_space<hbm>> -> memref<1x2x128xi32, #tpu.memory_space<hbm>>
            %dma_start3A_97 = tpu.memref_squeeze %dma_start3A_96 : memref<1x2x128xi32, #tpu.memory_space<hbm>> -> memref<2x128xi32, #tpu.memory_space<hbm>>
            %dma_start3A_98 = arith.constant 0 : i32
            %dma_start3A_99 = arith.constant 0 : i32
            %dma_start3A_100 = tpu.memref_slice %arg4[%add3A_85, %dma_start3A_98, %dma_start3A_99] : memref<2528x2x128xi32, #tpu.memory_space<hbm>> -> memref<1x2x128xi32, #tpu.memory_space<hbm>>
            %dma_start3A_101 = tpu.memref_squeeze %dma_start3A_100 : memref<1x2x128xi32, #tpu.memory_space<hbm>> -> memref<2x128xi32, #tpu.memory_space<hbm>>
            tpu.enqueue_dma source(%dma_start3A_101 : memref<2x128xi32, #tpu.memory_space<hbm>>) target(%arg9 : memref<2x128xi32, #tpu.memory_space<vmem>>) target_semaphore(%run_scoped3A_93 : memref<!tpu.dma_semaphore, #tpu.memory_space<semaphore_mem>>)
            %dma_wait3A_102 = arith.constant 0 : i32
            %dma_wait3A_103 = arith.constant 0 : i32
            %dma_wait3A_104 = tpu.memref_slice %arg4[%add3A_85, %dma_wait3A_102, %dma_wait3A_103] : memref<2528x2x128xi32, #tpu.memory_space<hbm>> -> memref<1x2x128xi32, #tpu.memory_space<hbm>>
            %dma_wait3A_105 = tpu.memref_squeeze %dma_wait3A_104 : memref<1x2x128xi32, #tpu.memory_space<hbm>> -> memref<2x128xi32, #tpu.memory_space<hbm>>
            %dma_wait3A_106 = arith.constant 0 : i32
            %dma_wait3A_107 = arith.constant 0 : i32
            %dma_wait3A_108 = tpu.memref_slice %arg4[%add3A_85, %dma_wait3A_106, %dma_wait3A_107] : memref<2528x2x128xi32, #tpu.memory_space<hbm>> -> memref<1x2x128xi32, #tpu.memory_space<hbm>>
            %dma_wait3A_109 = tpu.memref_squeeze %dma_wait3A_108 : memref<1x2x128xi32, #tpu.memory_space<hbm>> -> memref<2x128xi32, #tpu.memory_space<hbm>>
            tpu.wait_dma2 semaphore(%run_scoped3A_93 : memref<!tpu.dma_semaphore, #tpu.memory_space<semaphore_mem>>) src(%dma_wait3A_109 : memref<2x128xi32, #tpu.memory_space<hbm>>) dst(%arg9 : memref<2x128xi32, #tpu.memory_space<vmem>>)
            tpu.yield
          }) : () -> ()
          %dma_start3A_86 = arith.constant 0 : i32
          %dma_start3A_87 = arith.constant 0 : i32
          %dma_start3A_88 = tpu.memref_slice %arg9[%dma_start3A_86, %dma_start3A_87] : memref<2x128xi32, #tpu.memory_space<vmem>> -> memref<1x128xi32, #tpu.memory_space<vmem>>
          %dma_start3A_89 = tpu.memref_squeeze %dma_start3A_88 : memref<1x128xi32, #tpu.memory_space<vmem>> -> memref<128xi32, #tpu.memory_space<vmem>>
          %dma_start3A_90 = arith.constant 0 : i32
          %dma_start3A_91 = arith.constant 0 : i32
          %dma_start3A_92 = tpu.memref_slice %arg2[%dma_start3A_90, %dma_start3A_91] : memref<10000x144xf32, #tpu.memory_space<hbm>> -> memref<10000x144xf32, #tpu.memory_space<hbm>>
          tpu.enqueue_indirect_dma source(%dma_start3A_92 : memref<10000x144xf32, #tpu.memory_space<hbm>>) target(%arg11 : memref<128x144xf32, #tpu.memory_space<vmem>>) offsets(%dma_start3A_89 : memref<128xi32, #tpu.memory_space<vmem>>) semaphore(%arg14 : memref<!tpu.dma_semaphore, #tpu.memory_space<semaphore_mem>>)
        } else {
        }
        %dma_wait3A_68 = arith.constant 0 : i32
        %dma_wait3A_69 = arith.constant 0 : i32
        %dma_wait3A_70 = tpu.memref_slice %arg10[%dma_wait3A_68, %dma_wait3A_69] : memref<2x128xi32, #tpu.memory_space<vmem>> -> memref<1x128xi32, #tpu.memory_space<vmem>>
        %dma_wait3A_71 = tpu.memref_squeeze %dma_wait3A_70 : memref<1x128xi32, #tpu.memory_space<vmem>> -> memref<128xi32, #tpu.memory_space<vmem>>
        %dma_wait3A_72 = arith.constant 0 : i32
        %dma_wait3A_73 = arith.constant 0 : i32
        %dma_wait3A_74 = tpu.memref_slice %arg2[%dma_wait3A_72, %dma_wait3A_73] : memref<10000x144xf32, #tpu.memory_space<hbm>> -> memref<10000x144xf32, #tpu.memory_space<hbm>>
        tpu.wait_indirect_dma semaphore(%arg15 : memref<!tpu.dma_semaphore, #tpu.memory_space<semaphore_mem>>) src(%dma_wait3A_74 : memref<10000x144xf32, #tpu.memory_space<hbm>>) dst(%arg12 : memref<128x144xf32, #tpu.memory_space<vmem>>)
        %run_scoped3A_75 = arith.constant 1 : i32
        "tpu.region"() ({
          %run_scoped3A_83 = tpu.sem_alloc : memref<!tpu.dma_semaphore, #tpu.memory_space<semaphore_mem>>
          %dma_start3A_84 = arith.constant 0 : i32
          %dma_start3A_85 = tpu.memref_slice %arg10[%run_scoped3A_75, %dma_start3A_84] : memref<2x128xi32, #tpu.memory_space<vmem>> -> memref<1x128xi32, #tpu.memory_space<vmem>>
          %dma_start3A_86 = tpu.memref_squeeze %dma_start3A_85 : memref<1x128xi32, #tpu.memory_space<vmem>> -> memref<128xi32, #tpu.memory_space<vmem>>
          %dma_start3A_87 = arith.constant 0 : i32
          %dma_start3A_88 = arith.constant 0 : i32
          %dma_start3A_89 = tpu.memref_slice %arg13[%dma_start3A_87, %dma_start3A_88] : memref<10112x144xf32, #tpu.memory_space<vmem_shared>> -> memref<10112x144xf32, #tpu.memory_space<vmem_shared>>
          tpu.enqueue_indirect_dma source(%arg12 : memref<128x144xf32, #tpu.memory_space<vmem>>) target(%dma_start3A_89 : memref<10112x144xf32, #tpu.memory_space<vmem_shared>>) offsets(%dma_start3A_86 : memref<128xi32, #tpu.memory_space<vmem>>) semaphore(%run_scoped3A_83 : memref<!tpu.dma_semaphore, #tpu.memory_space<semaphore_mem>>) {add = true}
          %dma_wait3A_90 = arith.constant 0 : i32
          %dma_wait3A_91 = tpu.memref_slice %arg10[%run_scoped3A_75, %dma_wait3A_90] : memref<2x128xi32, #tpu.memory_space<vmem>> -> memref<1x128xi32, #tpu.memory_space<vmem>>
          %dma_wait3A_92 = tpu.memref_squeeze %dma_wait3A_91 : memref<1x128xi32, #tpu.memory_space<vmem>> -> memref<128xi32, #tpu.memory_space<vmem>>
          %dma_wait3A_93 = arith.constant 0 : i32
          %dma_wait3A_94 = arith.constant 0 : i32
          %dma_wait3A_95 = tpu.memref_slice %arg13[%dma_wait3A_93, %dma_wait3A_94] : memref<10112x144xf32, #tpu.memory_space<vmem_shared>> -> memref<10112x144xf32, #tpu.memory_space<vmem_shared>>
          tpu.wait_indirect_dma semaphore(%run_scoped3A_83 : memref<!tpu.dma_semaphore, #tpu.memory_space<semaphore_mem>>) src(%arg12 : memref<128x144xf32, #tpu.memory_space<vmem>>) dst(%dma_wait3A_95 : memref<10112x144xf32, #tpu.memory_space<vmem_shared>>)
          tpu.yield
        }) : () -> ()
        %add3A_76 = arith.constant 3 : i32
        %add3A_77 = arith.addi %add3A_36, %add3A_76 : i32
        %lt3A_78 = arith.constant 56 : i32
        %lt3A_79 = arith.cmpi slt, %add3A_77, %lt3A_78 : i32
        %convert_element_type3A_80 = arith.extui %lt3A_79 : i1 to i32
        %cond3A_81 = arith.constant 0 : i32
        %cond3A_82 = arith.cmpi ne, %convert_element_type3A_80, %cond3A_81 : i32
        scf.if %cond3A_82 {
          %add3A_83 = arith.addi %add3A_10, %add3A_36 : i32
          %add3A_84 = arith.constant 3 : i32
          %add3A_85 = arith.addi %add3A_83, %add3A_84 : i32
          %dma_start3A_86 = arith.constant 0 : i32
          %dma_start3A_87 = arith.constant 0 : i32
          %dma_start3A_88 = tpu.memref_slice %arg4[%add3A_85, %dma_start3A_86, %dma_start3A_87] : memref<2528x2x128xi32, #tpu.memory_space<hbm>> -> memref<1x2x128xi32, #tpu.memory_space<hbm>>
          %dma_start3A_89 = tpu.memref_squeeze %dma_start3A_88 : memref<1x2x128xi32, #tpu.memory_space<hbm>> -> memref<2x128xi32, #tpu.memory_space<hbm>>
          %dma_start3A_90 = arith.constant 0 : i32
          %dma_start3A_91 = arith.constant 0 : i32
          %dma_start3A_92 = tpu.memref_slice %arg4[%add3A_85, %dma_start3A_90, %dma_start3A_91] : memref<2528x2x128xi32, #tpu.memory_space<hbm>> -> memref<1x2x128xi32, #tpu.memory_space<hbm>>
          %dma_start3A_93 = tpu.memref_squeeze %dma_start3A_92 : memref<1x2x128xi32, #tpu.memory_space<hbm>> -> memref<2x128xi32, #tpu.memory_space<hbm>>
          tpu.enqueue_dma source(%dma_start3A_93 : memref<2x128xi32, #tpu.memory_space<hbm>>) target(%arg10 : memref<2x128xi32, #tpu.memory_space<vmem>>) target_semaphore(%arg16 : memref<!tpu.dma_semaphore, #tpu.memory_space<semaphore_mem>>)
        } else {
        }
      }
      %scan3A_30 = arith.constant 28 : i32
      %barrier3A_31 = arith.constant 0 : index
      tpu.barrier barrier_id(%barrier3A_31)
      %run_scoped3A = arith.constant 1 : i32
      "tpu.region"() ({
        %run_scoped3A_32 = tpu.sem_alloc : memref<!tpu.dma_semaphore, #tpu.memory_space<semaphore_mem>>
        %dma_start3A_33 = arith.constant 0 : i32
        %dma_start3A_34 = arith.constant 0 : i32
        %dma_start3A_35 = tpu.memref_slice %arg7[%run_scoped3A, %dma_start3A_33, %dma_start3A_34] : memref<2x10112x144xf32, #tpu.memory_space<hbm>> -> memref<1x10112x144xf32, #tpu.memory_space<hbm>>
        %dma_start3A_36 = tpu.memref_squeeze %dma_start3A_35 : memref<1x10112x144xf32, #tpu.memory_space<hbm>> -> memref<10112x144xf32, #tpu.memory_space<hbm>>
        %dma_start3A_37 = arith.constant 0 : i32
        %dma_start3A_38 = tpu.memref_slice %dma_start3A_36[%mul3A_0, %dma_start3A_37] : memref<10112x144xf32, #tpu.memory_space<hbm>> -> memref<632x144xf32, #tpu.memory_space<hbm>>
        %dma_start3A_39 = arith.constant 0 : i32
        %dma_start3A_40 = tpu.memref_slice %arg13[%mul3A_0, %dma_start3A_39] : memref<10112x144xf32, #tpu.memory_space<vmem_shared>> -> memref<632x144xf32, #tpu.memory_space<vmem_shared>>
        tpu.enqueue_dma source(%dma_start3A_40 : memref<632x144xf32, #tpu.memory_space<vmem_shared>>) target(%dma_start3A_38 : memref<632x144xf32, #tpu.memory_space<hbm>>) target_semaphore(%run_scoped3A_32 : memref<!tpu.dma_semaphore, #tpu.memory_space<semaphore_mem>>)
        %dma_wait3A = arith.constant 0 : i32
        %dma_wait3A_41 = arith.constant 0 : i32
        %dma_wait3A_42 = tpu.memref_slice %arg7[%run_scoped3A, %dma_wait3A, %dma_wait3A_41] : memref<2x10112x144xf32, #tpu.memory_space<hbm>> -> memref<1x10112x144xf32, #tpu.memory_space<hbm>>
        %dma_wait3A_43 = tpu.memref_squeeze %dma_wait3A_42 : memref<1x10112x144xf32, #tpu.memory_space<hbm>> -> memref<10112x144xf32, #tpu.memory_space<hbm>>
        %dma_wait3A_44 = arith.constant 0 : i32
        %dma_wait3A_45 = tpu.memref_slice %dma_wait3A_43[%mul3A_0, %dma_wait3A_44] : memref<10112x144xf32, #tpu.memory_space<hbm>> -> memref<632x144xf32, #tpu.memory_space<hbm>>
        %dma_wait3A_46 = arith.constant 0 : i32
        %dma_wait3A_47 = tpu.memref_slice %arg13[%mul3A_0, %dma_wait3A_46] : memref<10112x144xf32, #tpu.memory_space<vmem_shared>> -> memref<632x144xf32, #tpu.memory_space<vmem_shared>>
        tpu.wait_dma2 semaphore(%run_scoped3A_32 : memref<!tpu.dma_semaphore, #tpu.memory_space<semaphore_mem>>) src(%dma_wait3A_47 : memref<632x144xf32, #tpu.memory_space<vmem_shared>>) dst(%dma_wait3A_45 : memref<632x144xf32, #tpu.memory_space<hbm>>)
        tpu.yield
      }) : () -> ()
    } else {
    }
    return
  }
}

module attributes {stable_mosaic.version = 14 : i64} {
  func.func @_mlp_body(%arg0: i32, %arg1: memref<2000x128xf32, #tpu.memory_space<vmem>>, %arg2: memref<2x2000x144xf32, #tpu.memory_space<vmem>>, %arg3: memref<1x2000x144xf32, #tpu.memory_space<vmem>>, %arg4: memref<384x64xf32, #tpu.memory_space<vmem>>, %arg5: memref<1x64xf32, #tpu.memory_space<vmem>>, %arg6: memref<64x64xf32, #tpu.memory_space<vmem>>, %arg7: memref<1x64xf32, #tpu.memory_space<vmem>>, %arg8: memref<64x32xf32, #tpu.memory_space<vmem>>, %arg9: memref<1x32xf32, #tpu.memory_space<vmem>>, %arg10: memref<2000x32xf32, #tpu.memory_space<vmem>>) attributes {dimension_semantics = [#tpu.dimension_semantics<arbitrary>], iteration_bounds = array<i64: 5>, scalar_prefetch = 0 : i64, scratch_operands = 0 : i64, tpu.core_type = #tpu.core_type<tc>, window_params = [{transform_indices = @transform_0, window_bounds = array<i64: 2000, 128>}, {transform_indices = @transform_1, window_bounds = array<i64: 2, 2000, 144>}, {transform_indices = @transform_2, window_bounds = array<i64: 1, 2000, 144>}, {pipeline_mode = #tpu.pipeline_mode<synchronous>, transform_indices = @transform_3, window_bounds = array<i64: 384, 64>}, {pipeline_mode = #tpu.pipeline_mode<synchronous>, transform_indices = @transform_4, window_bounds = array<i64: 1, 64>}, {pipeline_mode = #tpu.pipeline_mode<synchronous>, transform_indices = @transform_5, window_bounds = array<i64: 64, 64>}, {pipeline_mode = #tpu.pipeline_mode<synchronous>, transform_indices = @transform_6, window_bounds = array<i64: 1, 64>}, {pipeline_mode = #tpu.pipeline_mode<synchronous>, transform_indices = @transform_7, window_bounds = array<i64: 64, 32>}, {pipeline_mode = #tpu.pipeline_mode<synchronous>, transform_indices = @transform_8, window_bounds = array<i64: 1, 32>}, {transform_indices = @transform_9, window_bounds = array<i64: 2000, 32>}]} {
    %get3A = arith.constant 0 : index
    %get3A_0 = arith.constant 0 : index
    %get3A_1 = arith.constant 0 : index
    %get3A_2 = vector.load %arg2[%get3A, %get3A_0, %get3A_1] : memref<2x2000x144xf32, #tpu.memory_space<vmem>>, vector<1x2000x144xf32>
    %get3A_3 = vector.shape_cast %get3A_2 : vector<1x2000x144xf32> to vector<2000x144xf32>
    %get3A_4 = arith.constant 1 : index
    %get3A_5 = arith.constant 0 : index
    %get3A_6 = arith.constant 0 : index
    %get3A_7 = vector.load %arg2[%get3A_4, %get3A_5, %get3A_6] : memref<2x2000x144xf32, #tpu.memory_space<vmem>>, vector<1x2000x144xf32>
    %get3A_8 = vector.shape_cast %get3A_7 : vector<1x2000x144xf32> to vector<2000x144xf32>
    %add3A = arith.addf %get3A_3, %get3A_8 : vector<2000x144xf32>
    %get3A_9 = arith.constant 0 : index
    %get3A_10 = arith.constant 0 : index
    %get3A_11 = arith.constant 0 : index
    %get3A_12 = vector.load %arg3[%get3A_9, %get3A_10, %get3A_11] : memref<1x2000x144xf32, #tpu.memory_space<vmem>>, vector<1x2000x144xf32>
    %get3A_13 = vector.shape_cast %get3A_12 : vector<1x2000x144xf32> to vector<2000x144xf32>
    %slice3A = vector.extract_strided_slice %add3A {offsets = [0, 0], sizes = [2000, 128], strides = [1, 1]} : vector<2000x144xf32> to vector<2000x128xf32>
    %slice3A_14 = vector.extract_strided_slice %add3A {offsets = [0, 128], sizes = [2000, 1], strides = [1, 1]} : vector<2000x144xf32> to vector<2000x1xf32>
    %max3A = arith.constant 1.000000e+00 : f32
    %max3A_15 = vector.broadcast %max3A : f32 to vector<2000x1xf32>
    %max3A_16 = arith.maximumf %slice3A_14, %max3A_15 : vector<2000x1xf32>
    %div3A = vector.broadcast %max3A_16 : vector<2000x1xf32> to vector<2000x128xf32>
    %div3A_17 = arith.divf %slice3A, %div3A : vector<2000x128xf32>
    %slice3A_18 = vector.extract_strided_slice %get3A_13 {offsets = [0, 0], sizes = [2000, 128], strides = [1, 1]} : vector<2000x144xf32> to vector<2000x128xf32>
    %slice3A_19 = vector.extract_strided_slice %get3A_13 {offsets = [0, 128], sizes = [2000, 1], strides = [1, 1]} : vector<2000x144xf32> to vector<2000x1xf32>
    %max3A_20 = arith.constant 1.000000e+00 : f32
    %max3A_21 = vector.broadcast %max3A_20 : f32 to vector<2000x1xf32>
    %max3A_22 = arith.maximumf %slice3A_19, %max3A_21 : vector<2000x1xf32>
    %div3A_23 = vector.broadcast %max3A_22 : vector<2000x1xf32> to vector<2000x128xf32>
    %div3A_24 = arith.divf %slice3A_18, %div3A_23 : vector<2000x128xf32>
    %get3A_25 = arith.constant 0 : index
    %get3A_26 = arith.constant 0 : index
    %get3A_27 = vector.load %arg1[%get3A_25, %get3A_26] : memref<2000x128xf32, #tpu.memory_space<vmem>>, vector<2000x128xf32>
    %concatenate3A = tpu.concatenate %get3A_27, %div3A_17, %div3A_24 in 1 : vector<2000x128xf32>, vector<2000x128xf32>, vector<2000x128xf32> -> vector<2000x384xf32>
    %get3A_28 = arith.constant 0 : index
    %get3A_29 = arith.constant 0 : index
    %get3A_30 = vector.load %arg4[%get3A_28, %get3A_29] : memref<384x64xf32, #tpu.memory_space<vmem>>, vector<384x64xf32>
    %dot_general3A = arith.constant dense<0.000000e+00> : vector<2000x64xf32>
    %dot_general3A_31 = tpu.matmul %concatenate3A, %get3A_30, %dot_general3A {dimension_numbers = #tpu.dot_dimension_numbers<[1], [0], [0], [1], [0, 0, 1, 1], [], []>, transpose_lhs_hint = false} : vector<2000x384xf32>, vector<384x64xf32>, vector<2000x64xf32> -> vector<2000x64xf32>
    %get3A_32 = arith.constant 0 : index
    %get3A_33 = arith.constant 0 : index
    %get3A_34 = vector.load %arg5[%get3A_32, %get3A_33] : memref<1x64xf32, #tpu.memory_space<vmem>>, vector<1x64xf32>
    %add3A_35 = vector.broadcast %get3A_34 : vector<1x64xf32> to vector<2000x64xf32>
    %add3A_36 = arith.addf %dot_general3A_31, %add3A_35 : vector<2000x64xf32>
    %custom_jvp_call3A = arith.constant 0.000000e+00 : f32
    %max3A_37 = vector.broadcast %custom_jvp_call3A : f32 to vector<2000x64xf32>
    %max3A_38 = arith.maximumf %add3A_36, %max3A_37 : vector<2000x64xf32>
    %sub3A = vector.broadcast %custom_jvp_call3A : f32 to vector<2000x64xf32>
    %sub3A_39 = arith.subf %add3A_36, %sub3A : vector<2000x64xf32>
    %ne3A = arith.cmpf one, %sub3A_39, %sub3A_39 : vector<2000x64xf32>
    %add3A_40 = vector.broadcast %custom_jvp_call3A : f32 to vector<2000x64xf32>
    %add3A_41 = arith.addf %add3A_36, %add3A_40 : vector<2000x64xf32>
    %abs3A = math.absf %sub3A_39 : vector<2000x64xf32>
    %neg3A = arith.constant 0.000000e+00 : f32
    %neg3A_42 = vector.broadcast %neg3A : f32 to vector<2000x64xf32>
    %neg3A_43 = arith.subf %neg3A_42, %abs3A : vector<2000x64xf32>
    %exp3A = math.exp %neg3A_43 : vector<2000x64xf32>
    %log1p3A = math.log1p %exp3A : vector<2000x64xf32>
    %add3A_44 = arith.addf %max3A_38, %log1p3A : vector<2000x64xf32>
    %select_n3A = arith.select %ne3A, %add3A_41, %add3A_44 : vector<2000x64xi1>, vector<2000x64xf32>
    %get3A_45 = arith.constant 0 : index
    %get3A_46 = arith.constant 0 : index
    %get3A_47 = vector.load %arg6[%get3A_45, %get3A_46] : memref<64x64xf32, #tpu.memory_space<vmem>>, vector<64x64xf32>
    %dot_general3A_48 = arith.constant dense<0.000000e+00> : vector<2000x64xf32>
    %dot_general3A_49 = tpu.matmul %select_n3A, %get3A_47, %dot_general3A_48 {dimension_numbers = #tpu.dot_dimension_numbers<[1], [0], [0], [1], [0, 0, 1, 1], [], []>, transpose_lhs_hint = false} : vector<2000x64xf32>, vector<64x64xf32>, vector<2000x64xf32> -> vector<2000x64xf32>
    %get3A_50 = arith.constant 0 : index
    %get3A_51 = arith.constant 0 : index
    %get3A_52 = vector.load %arg7[%get3A_50, %get3A_51] : memref<1x64xf32, #tpu.memory_space<vmem>>, vector<1x64xf32>
    %add3A_53 = vector.broadcast %get3A_52 : vector<1x64xf32> to vector<2000x64xf32>
    %add3A_54 = arith.addf %dot_general3A_49, %add3A_53 : vector<2000x64xf32>
    %custom_jvp_call3A_55 = arith.constant 0.000000e+00 : f32
    %max3A_56 = vector.broadcast %custom_jvp_call3A_55 : f32 to vector<2000x64xf32>
    %max3A_57 = arith.maximumf %add3A_54, %max3A_56 : vector<2000x64xf32>
    %sub3A_58 = vector.broadcast %custom_jvp_call3A_55 : f32 to vector<2000x64xf32>
    %sub3A_59 = arith.subf %add3A_54, %sub3A_58 : vector<2000x64xf32>
    %ne3A_60 = arith.cmpf one, %sub3A_59, %sub3A_59 : vector<2000x64xf32>
    %add3A_61 = vector.broadcast %custom_jvp_call3A_55 : f32 to vector<2000x64xf32>
    %add3A_62 = arith.addf %add3A_54, %add3A_61 : vector<2000x64xf32>
    %abs3A_63 = math.absf %sub3A_59 : vector<2000x64xf32>
    %neg3A_64 = arith.constant 0.000000e+00 : f32
    %neg3A_65 = vector.broadcast %neg3A_64 : f32 to vector<2000x64xf32>
    %neg3A_66 = arith.subf %neg3A_65, %abs3A_63 : vector<2000x64xf32>
    %exp3A_67 = math.exp %neg3A_66 : vector<2000x64xf32>
    %log1p3A_68 = math.log1p %exp3A_67 : vector<2000x64xf32>
    %add3A_69 = arith.addf %max3A_57, %log1p3A_68 : vector<2000x64xf32>
    %select_n3A_70 = arith.select %ne3A_60, %add3A_62, %add3A_69 : vector<2000x64xi1>, vector<2000x64xf32>
    %get3A_71 = arith.constant 0 : index
    %get3A_72 = arith.constant 0 : index
    %get3A_73 = vector.load %arg8[%get3A_71, %get3A_72] : memref<64x32xf32, #tpu.memory_space<vmem>>, vector<64x32xf32>
    %dot_general3A_74 = arith.constant dense<0.000000e+00> : vector<2000x32xf32>
    %dot_general3A_75 = tpu.matmul %select_n3A_70, %get3A_73, %dot_general3A_74 {dimension_numbers = #tpu.dot_dimension_numbers<[1], [0], [0], [1], [0, 0, 1, 1], [], []>, transpose_lhs_hint = false} : vector<2000x64xf32>, vector<64x32xf32>, vector<2000x32xf32> -> vector<2000x32xf32>
    %get3A_76 = arith.constant 0 : index
    %get3A_77 = arith.constant 0 : index
    %get3A_78 = vector.load %arg9[%get3A_76, %get3A_77] : memref<1x32xf32, #tpu.memory_space<vmem>>, vector<1x32xf32>
    %add3A_79 = vector.broadcast %get3A_78 : vector<1x32xf32> to vector<2000x32xf32>
    %add3A_80 = arith.addf %dot_general3A_75, %add3A_79 : vector<2000x32xf32>
    %swap3A = arith.constant 0 : index
    %swap3A_81 = arith.constant 0 : index
    %swap3A_82 = vector.load %arg10[%swap3A, %swap3A_81] : memref<2000x32xf32, #tpu.memory_space<vmem>>, vector<2000x32xf32>
    tpu.vector_store %arg10[%swap3A, %swap3A_81], %add3A_80 {strides = array<i32>} : memref<2000x32xf32, #tpu.memory_space<vmem>>, vector<2000x32xf32>,
    return
  }
  func.func @transform_0(%arg0: i32) -> (i32, i32) {
    %c0_i32 = arith.constant 0 : i32
    %c0_i32_0 = arith.constant 0 : i32
    return %arg0, %c0_i32 : i32, i32
  }
  func.func @transform_1(%arg0: i32) -> (i32, i32, i32) {
    %c0_i32 = arith.constant 0 : i32
    %c0_i32_0 = arith.constant 0 : i32
    %c0_i32_1 = arith.constant 0 : i32
    return %c0_i32, %arg0, %c0_i32_0 : i32, i32, i32
  }
  func.func @transform_2(%arg0: i32) -> (i32, i32, i32) {
    %c0_i32 = arith.constant 0 : i32
    %c0_i32_0 = arith.constant 0 : i32
    %c0_i32_1 = arith.constant 0 : i32
    return %c0_i32, %arg0, %c0_i32_0 : i32, i32, i32
  }
  func.func @transform_3(%arg0: i32) -> (i32, i32) {
    %c0_i32 = arith.constant 0 : i32
    %c0_i32_0 = arith.constant 0 : i32
    %c0_i32_1 = arith.constant 0 : i32
    return %c0_i32, %c0_i32_0 : i32, i32
  }
  func.func @transform_4(%arg0: i32) -> (i32, i32) {
    %c0_i32 = arith.constant 0 : i32
    %c0_i32_0 = arith.constant 0 : i32
    %c0_i32_1 = arith.constant 0 : i32
    return %c0_i32, %c0_i32_0 : i32, i32
  }
  func.func @transform_5(%arg0: i32) -> (i32, i32) {
    %c0_i32 = arith.constant 0 : i32
    %c0_i32_0 = arith.constant 0 : i32
    %c0_i32_1 = arith.constant 0 : i32
    return %c0_i32, %c0_i32_0 : i32, i32
  }
  func.func @transform_6(%arg0: i32) -> (i32, i32) {
    %c0_i32 = arith.constant 0 : i32
    %c0_i32_0 = arith.constant 0 : i32
    %c0_i32_1 = arith.constant 0 : i32
    return %c0_i32, %c0_i32_0 : i32, i32
  }
  func.func @transform_7(%arg0: i32) -> (i32, i32) {
    %c0_i32 = arith.constant 0 : i32
    %c0_i32_0 = arith.constant 0 : i32
    %c0_i32_1 = arith.constant 0 : i32
    return %c0_i32, %c0_i32_0 : i32, i32
  }
  func.func @transform_8(%arg0: i32) -> (i32, i32) {
    %c0_i32 = arith.constant 0 : i32
    %c0_i32_0 = arith.constant 0 : i32
    %c0_i32_1 = arith.constant 0 : i32
    return %c0_i32, %c0_i32_0 : i32, i32
  }
  func.func @transform_9(%arg0: i32) -> (i32, i32) {
    %c0_i32 = arith.constant 0 : i32
    %c0_i32_0 = arith.constant 0 : i32
    return %arg0, %c0_i32 : i32, i32
  }
}

</mosaic_0001>

<sc_bundles>
// kernel: kernel.4.cloned.1.call-start
scs
__scs_entry_jumppad:
0x0: {  	(pc) =	sbr.rel $0x88, $3  }
0x1: {  	(tag) =	ssettag $0x0;
	lr =	simm.s32 $0x1  }
0x2: {  	[smem:$0x3F95] =	sst lr;
	_ =	strace $0xD0000000  }
0x3: {  	_ = 	snop  }
0x4: {  	_ = 	snop  }
0x5: {  	_ = 	snop  }
0x6: {  	_ = 	snop  }
0x7: {  	_ = 	snop  }
__scs_overlays_trampoline_lowered:
0x8: {  	[smem:$0x3FA4] =	sst s0  }
0x9: {  	[smem:$0x3FA5] =	sst s1  }
0xa: {  	[smem:$0x3FA6] =	sst s2  }
0xb: {  	[smem:$0x3FA7] =	sst s3  }
0xc: {  	[smem:$0x3FA8] =	sst s4  }
0xd: {  	[smem:$0x3FA9] =	sst s5  }
0xe: {  	[smem:$0x3FAA] =	sst s6  }
0xf: {  	[smem:$0x3FAB] =	sst s7  }
0x10: {  	[smem:$0x3FAC] =	sst s8  }
0x11: {  	[smem:$0x3FAD] =	sst s9;
	s0 =	simm.s32 @!p0 $0x0  }
0x12: {  	s1 =	sld [smem:$0x3F93];
	s0 =	simm.s32 @p0 $0x1  }
0x13: {  	[smem:$0x3FAE] =	sst s0;
	s0 =	simm.s32 @!p1 $0x0  }
0x14: {  	s2 =	sld [smem:$0x3F92];
	s0 =	simm.s32 @p1 $0x1  }
0x15: {  	[smem:$0x3FAF] =	sst s0;
	s0 =	simm.s32 @!p2 $0x0  }
0x16: {  	s3 =	sld [smem:$0x3FDB];
	s0 =	simm.s32 @p2 $0x1  }
0x17: {  	s4 =	simm.s32 $0x1BF5;
	[smem:$0x3FB1] =	sst s0  }
0x18: {  	s0 =	sld [smem:$0x3F94];
	_ =	swait.ge [sflag:s4], $0x0  }
0x19: {  	s7 =	sld [smem:$0x3F95]  }
0x1a: {  	s8 =	sadd.s32 $0xFFFFE003, lr  }
0x1b: {  	s9 =	sadd.s32 $0xFFFFFEF7, lr;
	s5 =	simm.s32 $0xFFFFFFFF;
	p2 =	slt.u32 s8, $0xFFFFF086  }
0x1c: {  	p1 =	slt.u32 s9, $0xF7A;
	s5 =	simm.s32 @!p2 $0x0  }
0x1d: {  	s5 =	simm.s32 @p1 $0x1;
	p0 =	seq.s32 s7, s2  }
0x1e: {  	s7 =	smul.u32 @!p0 $0xF7A, s2;
	p2 =	seq.s32 @!p0 s5, $0x0  }
0x1f: {  	s9 =	smul.u32 $0xF7A, s1;
	s8 =	simm.s32 @!p0 $0x1BF5;
	p2 =	por !p2, p0  }
0x20: {  	[sflag:s8] =	ssyncset.s32 @!p0 $0xFFFFF086;
	s6 =	sadd.s32 @!p0 s3, s7;
	s7 =	simm.s32 @!p0 $0x108  }
0x21: {  	s3 =	sadd.s32 s3, s9;
	s6 =	sadd.s32 @!p0 $0x88, s6;
	s7 =	simm.s32 @p2 $0x1082  }
0x22: {  	[simem:s7], [sflag:s8] =	dma.local @!p0 [hbm:s6], $0xF7A  }
0x23: {  	s9 =	sor.u32 $0xD0000000, s2;
	s6 =	simm.s32 $0x108;
	_ =	swait.ge @!p0 [sflag:s8], $0x0  }
0x24: {  	s3 =	sadd.s32 $0x88, s3;
	s6 =	simm.s32 @!p1 $0x1082;
	[sflag:s4] =	ssyncset.s32 $0xFFFFF086  }
0x25: {  	[simem:s6], [sflag:s4] =	dma.local [hbm:s3], $0xF7A  }
0x26: {  	[smem:$0x3F95] =	sst s1;
	(tag) =	ssettag s2;
	_ =	strace s9  }
0x27: {  	s1 =	sld [smem:$0x3FA5]  }
0x28: {  	s2 =	sld [smem:$0x3FA6]  }
0x29: {  	s4 =	sld [smem:$0x3FA8]  }
0x2a: {  	p0 =	seq.s32 s5, $0x0;
	s5 =	sld [smem:$0x3FA9]  }
0x2b: {  	s6 =	sld [smem:$0x3FAA]  }
0x2c: {  	s7 =	sld [smem:$0x3FAB]  }
0x2d: {  	s3 =	simm.s32 $0x108;
	s8 =	sld [smem:$0x3FAC]  }
0x2e: {  	s3 =	simm.s32 @!p0 $0x1082;
	s9 =	sld [smem:$0x3FAD]  }
0x2f: {  	lr =	sadd.s32 s0, s3;
	s0 =	sld [smem:$0x3FA4]  }
0x30: {  	s3 =	sld [smem:$0x3FA7]  }
0x31: {  	[smem:$0x3FB0] =	sst s10  }
0x32: {  	s10 =	sld [smem:$0x3FAE];
	_ =	sdelay $0x3  }
0x33: {  	p0 =	seq.s32 s10, $0x1;
	s10 =	sld [smem:$0x3FB0];
	_ =	sdelay $0x3  }
0x34: {  	[smem:$0x3FB0] =	sst s10  }
0x35: {  	s10 =	sld [smem:$0x3FAF];
	_ =	sdelay $0x3  }
0x36: {  	p1 =	seq.s32 s10, $0x1;
	s10 =	sld [smem:$0x3FB0];
	_ =	sdelay $0x3  }
0x37: {  	[smem:$0x3FB0] =	sst s10  }
0x38: {  	s10 =	sld [smem:$0x3FB1]  }
0x39: {  	_ = 	snop;
	(pc) =	sbr.ind lr, $3  }
0x3a: {  	_ = 	snop  }
0x3b: {  	_ = 	snop  }
0x3c: {  	p2 =	seq.s32 s10, $0x1;
	s10 =	sld [smem:$0x3FB0]  }
0x3d: {  	_ =	shalt  }
0x3e: {  	_ =	shalt  }
0x3f: {  	_ =	shalt  }
0x40: {  	_ =	shalt  }
0x41: {  	_ =	shalt  }
0x42: {  	_ =	shalt  }
0x43: {  	_ =	shalt  }
0x44: {  	_ =	shalt  }
0x45: {  	_ =	shalt  }
0x46: {  	_ =	shalt  }
0x47: {  	_ =	shalt  }
0x48: {  	_ =	shalt  }
0x49: {  	_ =	shalt  }
0x4a: {  	_ =	shalt  }
0x4b: {  	_ =	shalt  }
0x4c: {  	_ =	shalt  }
0x4d: {  	_ =	shalt  }
0x4e: {  	_ =	shalt  }
0x4f: {  	_ =	shalt  }
0x50: {  	_ =	shalt  }
0x51: {  	_ =	shalt  }
0x52: {  	_ =	shalt  }
0x53: {  	_ =	shalt  }
0x54: {  	_ =	shalt  }
0x55: {  	_ =	shalt  }
0x56: {  	_ =	shalt  }
0x57: {  	_ =	shalt  }
0x58: {  	_ =	shalt  }
0x59: {  	_ =	shalt  }
0x5a: {  	_ =	shalt  }
0x5b: {  	_ =	shalt  }
0x5c: {  	_ =	shalt  }
0x5d: {  	_ =	shalt  }
0x5e: {  	_ =	shalt  }
0x5f: {  	_ =	shalt  }
0x60: {  	_ =	shalt  }
0x61: {  	_ =	shalt  }
0x62: {  	_ =	shalt  }
0x63: {  	_ =	shalt  }
0x64: {  	_ =	shalt  }
0x65: {  	_ =	shalt  }
0x66: {  	_ =	shalt  }
0x67: {  	_ =	shalt  }
0x68: {  	_ =	shalt  }
0x69: {  	_ =	shalt  }
0x6a: {  	_ =	shalt  }
0x6b: {  	_ =	shalt  }
0x6c: {  	_ =	shalt  }
0x6d: {  	_ =	shalt  }
0x6e: {  	_ =	shalt  }
0x6f: {  	_ =	shalt  }
0x70: {  	_ =	shalt  }
0x71: {  	_ =	shalt  }
0x72: {  	_ =	shalt  }
0x73: {  	_ =	shalt  }
0x74: {  	_ =	shalt  }
0x75: {  	_ =	shalt  }
0x76: {  	_ =	shalt  }
0x77: {  	_ =	shalt  }
0x78: {  	_ =	shalt  }
0x79: {  	_ =	shalt  }
0x7a: {  	_ =	shalt  }
0x7b: {  	_ =	shalt  }
0x7c: {  	_ =	shalt  }
0x7d: {  	_ =	shalt  }
0x7e: {  	_ =	shalt  }
0x7f: {  	_ =	shalt  }
0x80: {  	_ =	shalt  }
0x81: {  	_ =	shalt  }
0x82: {  	_ =	shalt  }
0x83: {  	_ =	shalt  }
0x84: {  	_ =	shalt  }
0x85: {  	_ =	shalt  }
0x86: {  	_ =	shalt  }
0x87: {  	_ =	shalt  }
.Lfunc_end0:
.L_simem_size_0:
called_computation_lowered:
.L_overlay_start_0:
0x88: {  	s2 =	sld [smem:$0x3FD9]  }
0x89: {  	s3 =	sld [smem:$0x3FFE];
	_ =	sdelay $0x1  }
0x8a: {  	s1 =	srdreg.scid  }
0x8b: {  	s0 =	sand.u32 $0x1, s1  }
0x8c: {  	s17 =	sshll.u32 s0, $0xA;
	s2 =	sadd.s32 s3, s2  }
0x8d: {  	s2 =	sadd.s32 s2, s17  }
0x8e: {  	[smem:$0x3FBC] =	sst s2  }
0x8f: {  	_ = 	snop  }
0x90: {  	s2 =	sld [smem:$0x3FD0];
	(tm) =	ssettm $0x1  }
0x91: {  	s18 =	sld [smem:$0x3FFB];
	_ =	sdelay $0x3  }
0x92: {  	_ =	strace s18  }
0x93: {  	s3 =	sld [smem:$0x3FFC];
	_ =	sdelay $0x3  }
0x94: {  	_ =	strace s3  }
0x95: {  	s3 =	sld [smem:$0x3FFD];
	_ =	sdelay $0x3  }
0x96: {  	_ =	strace s3  }
0x97: {  	_ =	strace $0x8FFFFFFF  }
0x98: {  	s19 =	sld [smem:$0x3FDB];
	_ =	sdelay $0x1  }
0x99: {  	s4 =	simm.s32 $_scs_section_size  }
0x9a: {  	s5 =	simm.s32 $_size__tile_overlayer_lowered;
	s6 =	simm.s32 $_tile_overlayer_lowered  }
0x9b: {  	s22 =	simm.s32 $0x1BFF;
	s21 =	sshll.u32 s6, $0x1;
	s3 =	sadd.s32 s4, s19  }
0x9c: {  	s7 =	simm.s32 $0x0;
	s20 =	sshll.u32 s5, $0x1;
	s5 =	sadd.s32 s21, s3  }
0x9d: {  	[timem:s7], [sflag:s22] =	dma.local [hbm:s5], s20  }
0x9e: {  	_ =	swait.ge [sflag:s22], s20  }
0x9f: {  	s4 =	ssub.s32 $0x0, s20;
	[sflag:s22] =	ssyncset.done $0x0  }
0xa0: {  	[sflag:s22] =	ssyncadd.s32 s4;
	_ =	sdelay $0x1  }
0xa1: {  	s23 =	simm.s32 $0x1B8B  }
0xa2: {  	_ =	swait.ge [sflag:s23], $0x1  }
0xa3: {  	[sflag:s23] =	ssyncset.done $0x0  }
0xa4: {  	s25 =	simm.s32 $0x1B8E;
	s24 =	sld [smem:$0x3FFE];
	[sflag:s23] =	ssyncadd.s32 $0xFFFFFFFF  }
0xa5: {  	s26 =	simm.s32 $execute0_lowered;
	[smem:$0x3FD2] =	sst s25  }
0xa6: {  	s5 =	sshll.u32 s26, $0x1;
	_ =	strace $0x80000046;
	[dreg:$0x1] =	wrdreg $0xFFFFFFFF  }
0xa7: {  	s28 =	simm.s32 $_size_execute0_lowered;
	s3 =	sadd.s32 s3, s5;
	[dreg:$0x0] =	wrdreg $0x0  }
0xa8: {  	s5 =	sshll.u32 s28, $0x1;
	[dreg:$0x2] =	wrdreg s3  }
0xa9: {  	[dreg:$0x3] =	wrdreg s5  }
0xaa: {  	[dreg:$0x4] =	wrdreg $0xC0  }
0xab: {  	_ =	task [dreg:s7], $0x5FFFF  }
0xac: {  	[dreg:$0x1] =	wrdreg $0xFFFFFFFF  }
0xad: {  	[dreg:$0x0] =	wrdreg $0x60  }
0xae: {  	[dreg:$0x2] =	wrdreg s24  }
0xaf: {  	[dreg:$0x3] =	wrdreg s2  }
0xb0: {  	[dreg:$0x4] =	wrdreg $0x92000  }
0xb1: {  	[dreg:$0x5] =	wrdreg $0x9  }
0xb2: {  	_ =	task.clear_ibuf [dreg:s7], $0x6FFFF;
	_ =	strace $0x90000046  }
0xb3: {  	s29 =	simm.s32 $0x9;
	_ =	strace $0x80000048  }
0xb4: {  	_ =	swait.ge [sflag:s29], $0x1  }
0xb5: {  	[sflag:s29] =	ssyncadd.s32 $0xFFFFFFFF  }
0xb6: {  	_ =	strace $0x90000048  }
0xb7: {  	_ =	sfence  }
0xb8: {  	s30 =	sld [smem:$0x0];
	_ =	sdelay $0x2  }
0xb9: {  	s31 =	sshll.u32 s1, $0xD;
	s1 =	sshrl.u32 s1, $0x2  }
0xba: {  	s3 =	sand.u32 $0x4000, s31;
	s1 =	sadd.s32 s1, s30  }
0xbb: {  	s0 =	sor.u32 s3, s0;
	s1 =	sshll.u32 s1, $0x11  }
0xbc: {  	s0 =	sor.u32 s1, s0  }
0xbd: {  	s0 =	sadd.s32 $0x8F2B, s0  }
0xbe: {  	[sflag:s0] =	ssyncadd.remote.s32 $0x1  }
0xbf: {  	_ =	sfence.sel $0xFFFF  }
0xc0: {  	[dreg:$0x0] =	wrdreg $0xFFFFFFFF;
	(pc) =	sbr.abs _section_cstart, $3  }
0xc1: {  	[dreg:$0x1] =	wrdreg $0xFFFFFFFF  }
0xc2: {  	_ =	task.clear_ibuf [dreg:s7], $0x2FFFF;
	_ =	strace $0x9FFFFFFF  }
0xc3: {  	(tm) =	ssettm $0x7FFFFFFF  }
tec
execute0_lowered:
.L_overlay_start_1:
0x0: {  	(tag) =	ssettag $0x1  }
0x1: {  	s0 =	rddreg [dreg:$0x0]  }
0x2: {  	s1 =	rddreg [dreg:$0x1]  }
0x3: {  	s2 =	rddreg [dreg:$0x2];
	s3 =	simm.s32 $0x0  }
0x4: {  	s22 =	stileid.u32;
	s4 =	srdreg.scid;
	s28 =	simm.s32 $0x100  }
0x5: {  	s29 =	simm.s32 $0x3;
	s30 =	simm.s32 $0x4A00;
	s6 =	smul.u32 $0x16380, s22  }
0x6: {  	s31 =	simm.s32 $0x1;
	[smem:$0x7FF] =	sst s3;
	s18 =	smul.u32 $0xCC0, s22  }
0x7: {  	s7 =	sand.u32 $0x1, s4;
	s4 =	sadd.s32 $0x1E00, s0;
	s20 =	smul.u32 $0xC0, s22  }
0x8: {  	s5 =	sadd.s32 $0x2DE00, s0;
	s9 =	sadd.s32 $0x2E400, s0;
	s13 =	smul.u32 $0x700, s22  }
0x9: {  	s14 =	smul.u32 $0x3800, s22;
	s26 =	sshll.u32 s22, $0x6;
	_ =	strace $0x80000047  }
0xa: {  	s8 =	ssub.s32 $0x2, s7;
	p0 =	seq.s32 s7, $0x1;
	s22 =	sor.u32 $0x1C04, s26  }
0xb: {  	s26 =	simm.s32 $0x200;
	s11 =	sshrl.u32 s6, $0x3;
	s10 =	sshrl.u32 s8, $0x1  }
0xc: {  	s6 =	sadd.s32 s6, s2;
	s13 =	sadd.s32 s13, s9;
	s23 =	sshrl.u32 s14, $0x3  }
0xd: {  	s25 =	sadd.s32 $0x40, s20;
	s12 =	sadd.s32 s11, s0;
	s15 =	ssub.s32 s8, s10  }
0xe: {  	s8 =	sadd.s32 s9, s18;
	s10 =	sadd.s32 s1, s20;
	s24 =	sadd.s32 $0xCC00, s13  }
0xf: {  	s9 =	sadd.s32 s9, s23;
	s0 =	sadd.s32 $0x9AF00, s0;
	s23 =	simm.s32 $0x4  }
0x10: {  	s7 =	sadd.s32 $0x42000, s12;
	s19 =	sadd.s32 $0x20, s8;
	s16 =	sadd.s32 $0x6E800, s12  }
0x11: {  	s21 =	sadd.s32 $0x20, s10;
	s14 =	sadd.s32 $0xC7600, s12;
	[dreg:$0x7] =	wrdreg s24  }
0x12: {  	s9 =	sadd.s32 $0xCC20, s9;
	s17 =	smax.u32 s15, $0x1;
	[dreg:$0x4] =	wrdreg s19  }
.Ltmp0:
0x13: {  	s24 =	sadd.s32 s11, s0;
	[dreg:$0x5] =	wrdreg s16;
	(pc) =	sbr.rel .LBB2_1-.Ltmp0, $4  }
0x14: {  	s0 =	simm.s32 $0x2;
	[dreg:$0x6] =	wrdreg s21;
	s21 =	sadd.s32 $0x40, s1  }
0x15: {  	s1 =	sadd.s32 $0x60, s1;
	[dreg:$0x8] =	wrdreg s9;
	s9 =	simm.s32 $0x0  }
0x16: {  	s18 =	sadd.s32 s20, s21;
	s19 =	sadd.s32 s20, s1;
	s20 =	sadd.s32 s25, s21  }
0x17: {  	s21 =	sadd.s32 s25, s1;
	s25 =	simm.s32 $0x80;
	s1 =	simm.s32 $0x180  }
.LBB2_7:
0x18: {  	[tilespmem:s28], [sflag:$0x3] =	stream.linear.gather [hbm4b:s15+s3], $0x100, $0x38;
	[tilespmem:$0x1F580] =	vst v63  }
0x19: {  	_ =	swait.ge [sflag:s29], $0x100  }
0x1a: {  	[sflag:s29] =	ssyncset.done $0x0  }
0x1b: {  	[sflag:s29] =	ssyncadd.s32 $0xFFFFFF00  }
0x1c: {  	[tilespmem:s30], [sflag:$0x2] =	stream.indirect.gather [hbm4b:s4+s25], $0x90, s28, s25, $0xb8;
	[tilespmem:$0x1F580] =	vst v63  }
0x1d: {  	_ =	swait.ge [sflag:s31], $0x4800  }
0x1e: {  	[sflag:s31] =	ssyncset.done $0x0  }
0x1f: {  	[sflag:s31] =	ssyncadd.s32 $0xFFFFB800  }
0x20: {  	[spmem:s2] =	stream.indirect.scatter.add.f32 [tilespmem:s26], [sflag:$0x4], $0x90, s25, s25, $0xb8;
	[tilespmem:$0x1F580] =	vst v63  }
0x21: {  	_ =	swait.ge [sflag:s23], $0x4800  }
0x22: {  	[sflag:s23] =	ssyncset.done $0x0  }
0x23: {  	[sflag:s23] =	ssyncadd.s32 $0xFFFFB800  }
0x24: {  	_ =	swait.ge [sflag:s0], $0x4800  }
0x25: {  	[sflag:s0] =	ssyncset.done $0x0  }
0x26: {  	[sflag:s0] =	ssyncadd.s32 $0xFFFFB800  }
0x27: {  	[spmem:s2] =	stream.indirect.scatter.add.f32 [tilespmem:s30], [sflag:$0x4], $0x90, s1, s25, $0xb8;
	[tilespmem:$0x1F580] =	vst v63  }
0x28: {  	_ =	swait.ge [sflag:s23], $0x4800  }
0x29: {  	[sflag:s23] =	ssyncset.done $0x0  }
0x2a: {  	[sflag:s23] =	ssyncadd.s32 $0xFFFFB800  }
0x2b: {  	s12 =	smov.u32 s24;
	[bflag:$0x0] =	sbarrier.arrive $0xFFFF  }
.LBB2_8:
0x2c: {  	s9 =	sadd.s32 $0x1, s9  }
0x2d: {  	p1 =	sne.s32 s9, s17  }
.Ltmp1:
0x2e: {  	_ = 	snop;
	(pc) =	sbr.rel @!p1 .LBB2_9-.Ltmp1, $4  }
0x2f: {  	[hbm:s12], [sflag:s22] =	dma.local [spmem:s11], $0x2C70  }
0x30: {  	_ =	swait.ge [sflag:s23], $0x2C70  }
0x31: {  	[sflag:s23] =	ssyncset.done $0x0  }
0x32: {  	[sflag:s23] =	ssyncadd.s32 $0xFFFFD390  }
.LBB2_1:
0x33: {  	s11 =	sshrl.u32 s6, $0x3  }
0x34: {  	[spmem:s11], [sflag:s22] =	dma.local [hbm:s7], $0x2C70  }
.Ltmp2:
0x35: {  	_ =	swait.ge [sflag:s23], $0x2C70;
	(pc) =	sbr.rel @!p0 .LBB2_2-.Ltmp2, $3  }
0x36: {  	[sflag:s23] =	ssyncset.done $0x0  }
0x37: {  	[sflag:s23] =	ssyncadd.s32 $0xFFFFD390  }
0x38: {  	[bflag:$0x0] =	sbarrier.arrive $0xFFFF;
	_ =	sdelay $0x1  }
0x39: {  	s12 =	rddreg [dreg:$0x7]  }
0x3a: {  	[tilespmem:s3], [sflag:$0x4] =	stream.linear.gather [hbm4b:s12+s3], $0x100, $0x38;
	[tilespmem:$0x1F580] =	vst v63  }
0x3b: {  	_ =	swait.ge [sflag:s23], $0x100  }
0x3c: {  	[sflag:s23] =	ssyncset.done $0x0  }
0x3d: {  	[sflag:s23] =	ssyncadd.s32 $0xFFFFFF00  }
0x3e: {  	[tilespmem:s26], [sflag:$0x1] =	stream.indirect.gather [hbm4b:s4+s25], $0x90, s3, s25, $0xb8;
	[tilespmem:$0x1F580] =	vst v63  }
0x3f: {  	s15 =	rddreg [dreg:$0x8]  }
0x40: {  	[tilespmem:s28], [sflag:$0x3] =	stream.linear.gather [hbm4b:s15+s3], $0x100, $0x38;
	[tilespmem:$0x1F580] =	vst v63  }
0x41: {  	_ =	swait.ge [sflag:s29], $0x100  }
0x42: {  	[sflag:s29] =	ssyncset.done $0x0  }
0x43: {  	[sflag:s29] =	ssyncadd.s32 $0xFFFFFF00  }
0x44: {  	[tilespmem:s30], [sflag:$0x2] =	stream.indirect.gather [hbm4b:s4+s25], $0x90, s28, s25, $0xb8;
	[tilespmem:$0x1F580] =	vst v63  }
0x45: {  	_ =	swait.ge [sflag:s31], $0x4800  }
0x46: {  	[sflag:s31] =	ssyncset.done $0x0  }
0x47: {  	[sflag:s31] =	ssyncadd.s32 $0xFFFFB800  }
0x48: {  	[spmem:s2] =	stream.indirect.scatter.add.f32 [tilespmem:s26], [sflag:$0x4], $0x90, s25, s25, $0xb8;
	[tilespmem:$0x1F580] =	vst v63  }
0x49: {  	_ =	swait.ge [sflag:s23], $0x4800  }
0x4a: {  	s15 =	sadd.s32 $0xFFFFF940, s13;
	[sflag:s23] =	ssyncset.done $0x0  }
0x4b: {  	s16 =	sadd.s32 $0xD300, s15;
	[sflag:s23] =	ssyncadd.s32 $0xFFFFB800  }
0x4c: {  	[tilespmem:s3], [sflag:$0x4] =	stream.linear.gather [hbm4b:s16+s3], $0x100, $0x38;
	[tilespmem:$0x1F580] =	vst v63  }
0x4d: {  	_ =	swait.ge [sflag:s23], $0x100  }
0x4e: {  	[sflag:s23] =	ssyncset.done $0x0  }
0x4f: {  	[sflag:s23] =	ssyncadd.s32 $0xFFFFFF00  }
0x50: {  	[tilespmem:s26], [sflag:$0x1] =	stream.indirect.gather [hbm4b:s4+s25], $0x90, s3, s25, $0xb8;
	[tilespmem:$0x1F580] =	vst v63  }
0x51: {  	_ =	swait.ge [sflag:s0], $0x4800  }
0x52: {  	[sflag:s0] =	ssyncset.done $0x0  }
0x53: {  	[sflag:s0] =	ssyncadd.s32 $0xFFFFB800  }
0x54: {  	[spmem:s2] =	stream.indirect.scatter.add.f32 [tilespmem:s30], [sflag:$0x4], $0x90, s1, s25, $0xb8;
	[tilespmem:$0x1F580] =	vst v63  }
0x55: {  	_ =	swait.ge [sflag:s23], $0x4800  }
0x56: {  	[sflag:s23] =	ssyncset.done $0x0  }
0x57: {  	s12 =	simm.s32 $0xFFFFF980;
	s15 =	sadd.s32 $0xD320, s15;
	[sflag:s23] =	ssyncadd.s32 $0xFFFFB800  }
.LBB2_6:
0x58: {  	[tilespmem:s28], [sflag:$0x3] =	stream.linear.gather [hbm4b:s15+s3], $0x100, $0x38;
	[tilespmem:$0x1F580] =	vst v63  }
0x59: {  	s15 =	smov.u32 s12  }
0x5a: {  	p1 =	sne.s32 s12, $0xFFFFFFC0;
	s12 =	sadd.s32 $0x40, s12;
	_ =	swait.ge [sflag:s29], $0x100  }
0x5b: {  	[sflag:s29] =	ssyncset.done $0x0  }
0x5c: {  	[sflag:s29] =	ssyncadd.s32 $0xFFFFFF00  }
0x5d: {  	[tilespmem:s30], [sflag:$0x2] =	stream.indirect.gather [hbm4b:s4+s25], $0x90, s28, s25, $0xb8;
	[tilespmem:$0x1F580] =	vst v63  }
0x5e: {  	_ =	swait.ge [sflag:s31], $0x4800  }
0x5f: {  	[sflag:s31] =	ssyncset.done $0x0  }
0x60: {  	[sflag:s31] =	ssyncadd.s32 $0xFFFFB800  }
0x61: {  	[spmem:s2] =	stream.indirect.scatter.add.f32 [tilespmem:s26], [sflag:$0x4], $0x90, s25, s25, $0xb8;
	[tilespmem:$0x1F580] =	vst v63  }
0x62: {  	_ =	swait.ge [sflag:s23], $0x4800  }
0x63: {  	s15 =	sadd.s32 s15, s13;
	[sflag:s23] =	ssyncset.done $0x0  }
0x64: {  	s16 =	sadd.s32 $0xD300, s15;
	[sflag:s23] =	ssyncadd.s32 $0xFFFFB800  }
0x65: {  	[tilespmem:s3], [sflag:$0x4] =	stream.linear.gather [hbm4b:s16+s3], $0x100, $0x38;
	[tilespmem:$0x1F580] =	vst v63  }
0x66: {  	_ =	swait.ge [sflag:s23], $0x100  }
0x67: {  	[sflag:s23] =	ssyncset.done $0x0  }
0x68: {  	[sflag:s23] =	ssyncadd.s32 $0xFFFFFF00  }
0x69: {  	[tilespmem:s26], [sflag:$0x1] =	stream.indirect.gather [hbm4b:s4+s25], $0x90, s3, s25, $0xb8;
	[tilespmem:$0x1F580] =	vst v63  }
0x6a: {  	_ =	swait.ge [sflag:s0], $0x4800  }
0x6b: {  	[sflag:s0] =	ssyncset.done $0x0  }
.Ltmp3:
0x6c: {  	[sflag:s0] =	ssyncadd.s32 $0xFFFFB800;
	(pc) =	sbr.rel @p1 .LBB2_6-.Ltmp3, $4  }
0x6d: {  	[spmem:s2] =	stream.indirect.scatter.add.f32 [tilespmem:s30], [sflag:$0x4], $0x90, s1, s25, $0xb8;
	[tilespmem:$0x1F580] =	vst v63  }
0x6e: {  	_ =	swait.ge [sflag:s23], $0x4800  }
0x6f: {  	[sflag:s23] =	ssyncset.done $0x0  }
0x70: {  	s15 =	sadd.s32 $0xD320, s15;
	[sflag:s23] =	ssyncadd.s32 $0xFFFFB800  }
.Ltmp4:
0x71: {  	_ = 	snop;
	(pc) =	sbr.rel .LBB2_7-.Ltmp4, $1  }
0x72: {  	_ =	sdelay $0x3  }
.LBB2_2:
0x73: {  	[tilespmem:s3], [sflag:$0x4] =	stream.linear.gather [hbm4b:s8+s3], $0x100, $0x38;
	[tilespmem:$0x1F580] =	vst v63  }
0x74: {  	_ =	swait.ge [sflag:s23], $0x100  }
0x75: {  	[sflag:s23] =	ssyncset.done $0x0  }
0x76: {  	[sflag:s23] =	ssyncadd.s32 $0xFFFFFF00  }
0x77: {  	[tilespmem:s26], [sflag:$0x1] =	stream.indirect.gather [hbm4b:s4+s25], $0x90, s3, s25, $0xb8;
	[tilespmem:$0x1F580] =	vst v63  }
0x78: {  	s12 =	rddreg [dreg:$0x4]  }
0x79: {  	[tilespmem:s28], [sflag:$0x3] =	stream.linear.gather [hbm4b:s12+s3], $0x100, $0x38;
	[tilespmem:$0x1F580] =	vst v63  }
0x7a: {  	_ =	swait.ge [sflag:s29], $0x100  }
0x7b: {  	[sflag:s29] =	ssyncset.done $0x0  }
0x7c: {  	[sflag:s29] =	ssyncadd.s32 $0xFFFFFF00  }
0x7d: {  	[tilespmem:s30], [sflag:$0x2] =	stream.indirect.gather [hbm4b:s4+s25], $0x90, s28, s25, $0xb8;
	[tilespmem:$0x1F580] =	vst v63  }
0x7e: {  	_ =	swait.ge [sflag:s31], $0x4800  }
0x7f: {  	[sflag:s31] =	ssyncset.done $0x0  }
0x80: {  	[sflag:s31] =	ssyncadd.s32 $0xFFFFB800  }
0x81: {  	[spmem:s2] =	stream.indirect.scatter.add.f32 [tilespmem:s26], [sflag:$0x4], $0x90, s25, s25, $0xb8;
	[tilespmem:$0x1F580] =	vst v63  }
0x82: {  	_ =	swait.ge [sflag:s23], $0x4800  }
0x83: {  	s15 =	sadd.s32 $0xFFFFF380, s8;
	[sflag:s23] =	ssyncset.done $0x0  }
0x84: {  	s16 =	sadd.s32 $0xCC0, s15;
	[sflag:s23] =	ssyncadd.s32 $0xFFFFB800  }
0x85: {  	[tilespmem:s3], [sflag:$0x4] =	stream.linear.gather [hbm4b:s16+s3], $0x100, $0x38;
	[tilespmem:$0x1F580] =	vst v63  }
0x86: {  	_ =	swait.ge [sflag:s23], $0x100  }
0x87: {  	[sflag:s23] =	ssyncset.done $0x0  }
0x88: {  	[sflag:s23] =	ssyncadd.s32 $0xFFFFFF00  }
0x89: {  	[tilespmem:s26], [sflag:$0x1] =	stream.indirect.gather [hbm4b:s4+s25], $0x90, s3, s25, $0xb8;
	[tilespmem:$0x1F580] =	vst v63  }
0x8a: {  	_ =	swait.ge [sflag:s0], $0x4800  }
0x8b: {  	[sflag:s0] =	ssyncset.done $0x0  }
0x8c: {  	[sflag:s0] =	ssyncadd.s32 $0xFFFFB800  }
0x8d: {  	[spmem:s2] =	stream.indirect.scatter.add.f32 [tilespmem:s30], [sflag:$0x4], $0x90, s1, s25, $0xb8;
	[tilespmem:$0x1F580] =	vst v63  }
0x8e: {  	_ =	swait.ge [sflag:s23], $0x4800  }
0x8f: {  	[sflag:s23] =	ssyncset.done $0x0  }
0x90: {  	s15 =	sadd.s32 $0xCE0, s15;
	s12 =	simm.s32 $0xFFFFF3C0;
	[sflag:s23] =	ssyncadd.s32 $0xFFFFB800  }
.LBB2_3:
0x91: {  	[tilespmem:s28], [sflag:$0x3] =	stream.linear.gather [hbm4b:s15+s3], $0x100, $0x38;
	[tilespmem:$0x1F580] =	vst v63  }
0x92: {  	s15 =	smov.u32 s12  }
0x93: {  	p1 =	sne.s32 s12, $0xFFFFFFC0;
	s12 =	sadd.s32 $0x40, s12;
	_ =	swait.ge [sflag:s29], $0x100  }
0x94: {  	[sflag:s29] =	ssyncset.done $0x0  }
0x95: {  	[sflag:s29] =	ssyncadd.s32 $0xFFFFFF00  }
0x96: {  	[tilespmem:s30], [sflag:$0x2] =	stream.indirect.gather [hbm4b:s4+s25], $0x90, s28, s25, $0xb8;
	[tilespmem:$0x1F580] =	vst v63  }
0x97: {  	_ =	swait.ge [sflag:s31], $0x4800  }
0x98: {  	[sflag:s31] =	ssyncset.done $0x0  }
0x99: {  	[sflag:s31] =	ssyncadd.s32 $0xFFFFB800  }
0x9a: {  	[spmem:s2] =	stream.indirect.scatter.add.f32 [tilespmem:s26], [sflag:$0x4], $0x90, s25, s25, $0xb8;
	[tilespmem:$0x1F580] =	vst v63  }
0x9b: {  	_ =	swait.ge [sflag:s23], $0x4800  }
0x9c: {  	s15 =	sadd.s32 s15, s8;
	[sflag:s23] =	ssyncset.done $0x0  }
0x9d: {  	s16 =	sadd.s32 $0xCC0, s15;
	[sflag:s23] =	ssyncadd.s32 $0xFFFFB800  }
0x9e: {  	[tilespmem:s3], [sflag:$0x4] =	stream.linear.gather [hbm4b:s16+s3], $0x100, $0x38;
	[tilespmem:$0x1F580] =	vst v63  }
0x9f: {  	_ =	swait.ge [sflag:s23], $0x100  }
0xa0: {  	[sflag:s23] =	ssyncset.done $0x0  }
0xa1: {  	[sflag:s23] =	ssyncadd.s32 $0xFFFFFF00  }
0xa2: {  	[tilespmem:s26], [sflag:$0x1] =	stream.indirect.gather [hbm4b:s4+s25], $0x90, s3, s25, $0xb8;
	[tilespmem:$0x1F580] =	vst v63  }
0xa3: {  	_ =	swait.ge [sflag:s0], $0x4800  }
0xa4: {  	[sflag:s0] =	ssyncset.done $0x0  }
.Ltmp5:
0xa5: {  	[sflag:s0] =	ssyncadd.s32 $0xFFFFB800;
	(pc) =	sbr.rel @p1 .LBB2_3-.Ltmp5, $4  }
0xa6: {  	[spmem:s2] =	stream.indirect.scatter.add.f32 [tilespmem:s30], [sflag:$0x4], $0x90, s1, s25, $0xb8;
	[tilespmem:$0x1F580] =	vst v63  }
0xa7: {  	_ =	swait.ge [sflag:s23], $0x4800  }
0xa8: {  	[sflag:s23] =	ssyncset.done $0x0  }
0xa9: {  	s15 =	sadd.s32 $0xCE0, s15;
	[sflag:s23] =	ssyncadd.s32 $0xFFFFB800  }
0xaa: {  	[tilespmem:s28], [sflag:$0x3] =	stream.linear.gather [hbm4b:s15+s3], $0x100, $0x38;
	[tilespmem:$0x1F580] =	vst v63  }
0xab: {  	_ =	swait.ge [sflag:s29], $0x100  }
0xac: {  	[sflag:s29] =	ssyncset.done $0x0  }
0xad: {  	[sflag:s29] =	ssyncadd.s32 $0xFFFFFF00  }
0xae: {  	[tilespmem:s30], [sflag:$0x2] =	stream.indirect.gather [hbm4b:s4+s25], $0x90, s28, s25, $0xb8;
	[tilespmem:$0x1F580] =	vst v63  }
0xaf: {  	_ =	swait.ge [sflag:s31], $0x4800  }
0xb0: {  	[sflag:s31] =	ssyncset.done $0x0  }
0xb1: {  	[sflag:s31] =	ssyncadd.s32 $0xFFFFB800  }
0xb2: {  	[spmem:s2] =	stream.indirect.scatter.add.f32 [tilespmem:s26], [sflag:$0x4], $0x90, s25, s25, $0xb8;
	[tilespmem:$0x1F580] =	vst v63  }
0xb3: {  	_ =	swait.ge [sflag:s23], $0x4800  }
0xb4: {  	[sflag:s23] =	ssyncset.done $0x0  }
0xb5: {  	[sflag:s23] =	ssyncadd.s32 $0xFFFFB800  }
0xb6: {  	_ =	swait.ge [sflag:s0], $0x4800  }
0xb7: {  	[sflag:s0] =	ssyncset.done $0x0  }
0xb8: {  	[sflag:s0] =	ssyncadd.s32 $0xFFFFB800  }
0xb9: {  	[spmem:s2] =	stream.indirect.scatter.add.f32 [tilespmem:s30], [sflag:$0x4], $0x90, s1, s25, $0xb8;
	[tilespmem:$0x1F580] =	vst v63  }
0xba: {  	_ =	swait.ge [sflag:s23], $0x4800  }
0xbb: {  	[sflag:s23] =	ssyncset.done $0x0  }
0xbc: {  	[sflag:s23] =	ssyncadd.s32 $0xFFFFB800  }
0xbd: {  	[bflag:$0x0] =	sbarrier.arrive $0xFFFF  }
0xbe: {  	s12 =	rddreg [dreg:$0x5]  }
0xbf: {  	[hbm:s12], [sflag:s22] =	dma.local [spmem:s11], $0x2C70  }
0xc0: {  	_ =	swait.ge [sflag:s23], $0x2C70  }
0xc1: {  	[sflag:s23] =	ssyncset.done $0x0  }
0xc2: {  	[sflag:s23] =	ssyncadd.s32 $0xFFFFD390  }
0xc3: {  	[spmem:s11], [sflag:s22] =	dma.local [hbm:s7], $0x2C70  }
0xc4: {  	_ =	swait.ge [sflag:s23], $0x2C70  }
0xc5: {  	[sflag:s23] =	ssyncset.done $0x0  }
0xc6: {  	[sflag:s23] =	ssyncadd.s32 $0xFFFFD390  }
0xc7: {  	[bflag:$0x0] =	sbarrier.arrive $0xFFFF  }
0xc8: {  	[tilespmem:s3], [sflag:$0x4] =	stream.linear.gather [hbm4b:s10+s3], $0x100, $0x38;
	[tilespmem:$0x1F580] =	vst v63  }
0xc9: {  	_ =	swait.ge [sflag:s23], $0x100  }
0xca: {  	[sflag:s23] =	ssyncset.done $0x0  }
0xcb: {  	[sflag:s23] =	ssyncadd.s32 $0xFFFFFF00  }
0xcc: {  	[tilespmem:s26], [sflag:$0x1] =	stream.indirect.gather [hbm4b:s5+s25], $0x90, s3, s25, $0xb8;
	[tilespmem:$0x1F580] =	vst v63  }
0xcd: {  	s16 =	rddreg [dreg:$0x6]  }
0xce: {  	[tilespmem:s28], [sflag:$0x3] =	stream.linear.gather [hbm4b:s16+s3], $0x100, $0x38;
	[tilespmem:$0x1F580] =	vst v63  }
0xcf: {  	_ =	swait.ge [sflag:s29], $0x100  }
0xd0: {  	[sflag:s29] =	ssyncset.done $0x0  }
0xd1: {  	[sflag:s29] =	ssyncadd.s32 $0xFFFFFF00  }
0xd2: {  	[tilespmem:s30], [sflag:$0x2] =	stream.indirect.gather [hbm4b:s5+s25], $0x90, s28, s25, $0xb8;
	[tilespmem:$0x1F580] =	vst v63  }
0xd3: {  	_ =	swait.ge [sflag:s31], $0x4800  }
0xd4: {  	[sflag:s31] =	ssyncset.done $0x0  }
0xd5: {  	[sflag:s31] =	ssyncadd.s32 $0xFFFFB800  }
0xd6: {  	[spmem:s2] =	stream.indirect.scatter.add.f32 [tilespmem:s26], [sflag:$0x4], $0x90, s25, s25, $0xb8;
	[tilespmem:$0x1F580] =	vst v63  }
0xd7: {  	_ =	swait.ge [sflag:s23], $0x4800  }
0xd8: {  	[sflag:s23] =	ssyncset.done $0x0  }
0xd9: {  	[sflag:s23] =	ssyncadd.s32 $0xFFFFB800  }
0xda: {  	[tilespmem:s3], [sflag:$0x4] =	stream.linear.gather [hbm4b:s18+s3], $0x100, $0x38;
	[tilespmem:$0x1F580] =	vst v63  }
0xdb: {  	_ =	swait.ge [sflag:s23], $0x100  }
0xdc: {  	[sflag:s23] =	ssyncset.done $0x0  }
0xdd: {  	[sflag:s23] =	ssyncadd.s32 $0xFFFFFF00  }
0xde: {  	[tilespmem:s26], [sflag:$0x1] =	stream.indirect.gather [hbm4b:s5+s25], $0x90, s3, s25, $0xb8;
	[tilespmem:$0x1F580] =	vst v63  }
0xdf: {  	_ =	swait.ge [sflag:s0], $0x4800  }
0xe0: {  	[sflag:s0] =	ssyncset.done $0x0  }
0xe1: {  	[sflag:s0] =	ssyncadd.s32 $0xFFFFB800  }
0xe2: {  	[spmem:s2] =	stream.indirect.scatter.add.f32 [tilespmem:s30], [sflag:$0x4], $0x90, s1, s25, $0xb8;
	[tilespmem:$0x1F580] =	vst v63  }
0xe3: {  	_ =	swait.ge [sflag:s23], $0x4800  }
0xe4: {  	[sflag:s23] =	ssyncset.done $0x0  }
0xe5: {  	[sflag:s23] =	ssyncadd.s32 $0xFFFFB800  }
0xe6: {  	[tilespmem:s28], [sflag:$0x3] =	stream.linear.gather [hbm4b:s19+s3], $0x100, $0x38;
	[tilespmem:$0x1F580] =	vst v63  }
0xe7: {  	_ =	swait.ge [sflag:s29], $0x100  }
0xe8: {  	[sflag:s29] =	ssyncset.done $0x0  }
0xe9: {  	[sflag:s29] =	ssyncadd.s32 $0xFFFFFF00  }
0xea: {  	[tilespmem:s30], [sflag:$0x2] =	stream.indirect.gather [hbm4b:s5+s25], $0x90, s28, s25, $0xb8;
	[tilespmem:$0x1F580] =	vst v63  }
0xeb: {  	_ =	swait.ge [sflag:s31], $0x4800  }
0xec: {  	[sflag:s31] =	ssyncset.done $0x0  }
0xed: {  	[sflag:s31] =	ssyncadd.s32 $0xFFFFB800  }
0xee: {  	[spmem:s2] =	stream.indirect.scatter.add.f32 [tilespmem:s26], [sflag:$0x4], $0x90, s25, s25, $0xb8;
	[tilespmem:$0x1F580] =	vst v63  }
0xef: {  	_ =	swait.ge [sflag:s23], $0x4800  }
0xf0: {  	[sflag:s23] =	ssyncset.done $0x0  }
0xf1: {  	[sflag:s23] =	ssyncadd.s32 $0xFFFFB800  }
0xf2: {  	[tilespmem:s3], [sflag:$0x4] =	stream.linear.gather [hbm4b:s20+s3], $0x100, $0x38;
	[tilespmem:$0x1F580] =	vst v63  }
0xf3: {  	_ =	swait.ge [sflag:s23], $0x100  }
0xf4: {  	[sflag:s23] =	ssyncset.done $0x0  }
0xf5: {  	[sflag:s23] =	ssyncadd.s32 $0xFFFFFF00  }
0xf6: {  	[tilespmem:s26], [sflag:$0x1] =	stream.indirect.gather [hbm4b:s5+s25], $0x90, s3, s25, $0xb8;
	[tilespmem:$0x1F580] =	vst v63  }
0xf7: {  	_ =	swait.ge [sflag:s0], $0x4800  }
0xf8: {  	[sflag:s0] =	ssyncset.done $0x0  }
0xf9: {  	[sflag:s0] =	ssyncadd.s32 $0xFFFFB800  }
0xfa: {  	[spmem:s2] =	stream.indirect.scatter.add.f32 [tilespmem:s30], [sflag:$0x4], $0x90, s1, s25, $0xb8;
	[tilespmem:$0x1F580] =	vst v63  }
0xfb: {  	_ =	swait.ge [sflag:s23], $0x4800  }
0xfc: {  	[sflag:s23] =	ssyncset.done $0x0  }
0xfd: {  	[sflag:s23] =	ssyncadd.s32 $0xFFFFB800  }
0xfe: {  	[tilespmem:s28], [sflag:$0x3] =	stream.linear.gather [hbm4b:s21+s3], $0x100, $0x38;
	[tilespmem:$0x1F580] =	vst v63  }
0xff: {  	_ =	swait.ge [sflag:s29], $0x100  }
0x100: {  	[sflag:s29] =	ssyncset.done $0x0  }
0x101: {  	[sflag:s29] =	ssyncadd.s32 $0xFFFFFF00  }
0x102: {  	[tilespmem:s30], [sflag:$0x2] =	stream.indirect.gather [hbm4b:s5+s25], $0x90, s28, s25, $0xb8;
	[tilespmem:$0x1F580] =	vst v63  }
0x103: {  	_ =	swait.ge [sflag:s31], $0x4800  }
0x104: {  	[sflag:s31] =	ssyncset.done $0x0  }
0x105: {  	[sflag:s31] =	ssyncadd.s32 $0xFFFFB800  }
0x106: {  	[spmem:s2] =	stream.indirect.scatter.add.f32 [tilespmem:s26], [sflag:$0x4], $0x90, s25, s25, $0xb8;
	[tilespmem:$0x1F580] =	vst v63  }
0x107: {  	_ =	swait.ge [sflag:s23], $0x4800  }
0x108: {  	[sflag:s23] =	ssyncset.done $0x0  }
0x109: {  	[sflag:s23] =	ssyncadd.s32 $0xFFFFB800  }
0x10a: {  	_ =	swait.ge [sflag:s0], $0x4800  }
0x10b: {  	[sflag:s0] =	ssyncset.done $0x0  }
0x10c: {  	[sflag:s0] =	ssyncadd.s32 $0xFFFFB800  }
0x10d: {  	[spmem:s2] =	stream.indirect.scatter.add.f32 [tilespmem:s30], [sflag:$0x4], $0x90, s1, s25, $0xb8;
	[tilespmem:$0x1F580] =	vst v63  }
.Ltmp6:
0x10e: {  	_ =	swait.ge [sflag:s23], $0x4800;
	(pc) =	sbr.rel .LBB2_8-.Ltmp6, $4  }
0x10f: {  	[sflag:s23] =	ssyncset.done $0x0  }
0x110: {  	[sflag:s23] =	ssyncadd.s32 $0xFFFFB800  }
0x111: {  	[bflag:$0x0] =	sbarrier.arrive $0xFFFF  }
0x112: {  	s12 =	smov.u32 s14  }
.LBB2_9:
0x113: {  	_ =	sfence.sel $0x180000  }
0x114: {  	[bflag:$0x0] =	sbarrier.arrive $0xFFFF  }
0x115: {  	_ =	strace $0x90000047  }
0x116: {  	s0 =	stileid.u32;
	[bflag:$0x2] =	sbarrier.arrive $0xFFFF  }
0x117: {  	p0 =	sne.s32 s0, $0x0;
	s0 =	rddreg [dreg:$0x3]  }
0x118: {  	s0 =	sadd.s32 @!p0 $0x100000, s0  }
0x119: {  	[sflag:s0] =	ssyncadd.tile.s32 @!p0 $0x1;
	_ =	shalt  }
.Lfunc_end2:
_tile_overlayer_lowered:
.L_overlay_start_2:
0x11a: {  	(tag) =	ssettag $0x2  }
0x11b: {  	s0 =	rddreg [dreg:$0x0];
	s2 =	stileid.u32  }
0x11c: {  	s1 =	rddreg [dreg:$0x1];
	p0 =	sne.s32 s2, $0x0  }
0x11d: {  	s3 =	rddreg [dreg:$0x2];
	[bflag:$0x3] =	sbarrier.arrive $0xFFFF;
	s2 =	simm.s32 @!p0 $0x1C04  }
0x11e: {  	[timem:s3], [sflag:s2] =	dma.local @!p0 [hbm:s0], s1  }
0x11f: {  	s0 =	simm.s32 @!p0 $0x4  }
0x120: {  	_ =	swait.ge @!p0 [sflag:s0], s1  }
0x121: {  	s1 =	ssub.s32 @!p0 $0x0, s1;
	[sflag:s0] =	ssyncset.done @!p0 $0x0  }
0x122: {  	[sflag:s0] =	ssyncadd.s32 @!p0 s1  }
0x123: {  	[bflag:$0x3] =	sbarrier.arrive $0xFFFF  }
0x124: {  	_ =	shalt  }

</sc_bundles>
